<compile_context>
chip_gen: v7x
topology: tpu7x:2x2x1
jax: 0.10.2.dev20260603
libtpu: 0.0.44.dev20260713+nightly
codegen_flags: <defaults>
</compile_context>

<pallas_src>
import functools

import jax
import jax.numpy as jnp
from jax import lax
from jax.experimental import pallas as pl
from jax.experimental.pallas import tpu as pltpu
from jax.experimental.pallas import tpu_sc as plsc

N = 10000
NPAD = 10240
D = 128
E = 320000
NC = 2
NS = 16
CHUNK = 128
NCHUNK = 79
EPAD = NC * NS * NCHUNK * CHUNK
ROWS_PER_TILE = NPAD // NS

_ZR = 16


@functools.cache
def _sc_kernels():
  mesh = plsc.VectorSubcoreMesh(
      core_axis_name="c", subcore_axis_name="s",
      num_cores=NC, num_subcores=NS)

  @functools.partial(
      pl.kernel,
      out_type=jax.ShapeDtypeStruct((NC, NPAD), jnp.float32),
      mesh=mesh,
      scratch_types=[
          pltpu.VMEM((NCHUNK, CHUNK), jnp.int32),
          pltpu.VMEM((CHUNK,), jnp.float32),
          pltpu.VMEM((ROWS_PER_TILE,), jnp.float32),
          pltpu.VMEM_SHARED((NPAD,), jnp.float32),
      ],
  )
  def _sc_deg(dst_hbm, deg_out, dstv, onesv, zv, sdeg):
    cid = lax.axis_index("c")
    sid = lax.axis_index("s")
    wid = sid * NC + cid

    def fill(i, _):
      onesv[pl.ds(i * 16, 16)] = jnp.ones((16,), jnp.float32)
      return 0
    lax.fori_loop(0, CHUNK // 16, fill, 0)

    def zfill(i, _):
      zv[pl.ds(i * 16, 16)] = jnp.zeros((16,), jnp.float32)
      return 0
    lax.fori_loop(0, ROWS_PER_TILE // 16, zfill, 0)

    pltpu.sync_copy(zv, sdeg.at[pl.ds(sid * ROWS_PER_TILE, ROWS_PER_TILE)])
    pltpu.sync_copy(dst_hbm.at[wid], dstv)
    plsc.subcore_barrier()

    def body(j, _):
      pltpu.sync_copy(onesv, sdeg.at[dstv.at[j]], add=True)
      return 0
    lax.fori_loop(0, NCHUNK, body, 0)

    plsc.subcore_barrier()
    pltpu.sync_copy(sdeg.at[pl.ds(sid * ROWS_PER_TILE, ROWS_PER_TILE)],
                    deg_out.at[cid, pl.ds(sid * ROWS_PER_TILE, ROWS_PER_TILE)])

  @functools.partial(
      pl.kernel,
      out_type=jax.ShapeDtypeStruct((NC, NPAD, D), jnp.float32),
      mesh=mesh,
      scratch_types=[
          pltpu.VMEM((NCHUNK, CHUNK), jnp.int32),
          pltpu.VMEM((2, CHUNK), jnp.int32),
          pltpu.VMEM((2, CHUNK, D), jnp.float32),
          pltpu.VMEM((_ZR, D), jnp.float32),
          pltpu.VMEM_SHARED((NPAD, D), jnp.float32),
          pltpu.SemaphoreType.DMA,
          pltpu.SemaphoreType.DMA,
      ],
  )
  def _sc_agg(u_hbm, src_hbm, dst_hbm, agg_out, dstv, srcb, rows, zbuf, accum,
              gsem, ssem):
    cid = lax.axis_index("c")
    sid = lax.axis_index("s")
    wid = sid * NC + cid

    def zfill(i, _):
      zbuf[i // 8, pl.ds((i % 8) * 16, 16)] = jnp.zeros((16,), jnp.float32)
      return 0
    lax.fori_loop(0, _ZR * D // 16, zfill, 0)

    n_zcopy = ROWS_PER_TILE // _ZR
    def zcopy(k, _):
      pltpu.sync_copy(zbuf,
                      accum.at[pl.ds(sid * ROWS_PER_TILE + k * _ZR, _ZR)])
      return 0
    lax.fori_loop(0, n_zcopy, zcopy, 0)

    pltpu.sync_copy(dst_hbm.at[wid], dstv)
    plsc.subcore_barrier()

    pltpu.sync_copy(src_hbm.at[wid, 0], srcb.at[0])
    pltpu.async_copy(u_hbm.at[srcb.at[0]], rows.at[0], gsem)

    def body(j, _):
      b = j % 2
      nb = (j + 1) % 2
      pltpu.sync_copy(src_hbm.at[wid, j + 1], srcb.at[nb])

      @pl.when(j >= 1)
      def _():
        pltpu.make_async_copy(u_hbm.at[pl.ds(0, CHUNK)], rows.at[nb],
                              ssem).wait()
      pltpu.async_copy(u_hbm.at[srcb.at[nb]], rows.at[nb], gsem)
      pltpu.make_async_copy(u_hbm.at[srcb.at[b]], rows.at[b], gsem).wait()
      pltpu.async_copy(rows.at[b], accum.at[dstv.at[j]], ssem, add=True)
      return 0
    lax.fori_loop(0, NCHUNK - 1, body, 0)

    lastb = (NCHUNK - 1) % 2
    pltpu.make_async_copy(u_hbm.at[srcb.at[lastb]], rows.at[lastb],
                          gsem).wait()
    pltpu.make_async_copy(u_hbm.at[pl.ds(0, CHUNK)], rows.at[1 - lastb],
                          ssem).wait()
    pltpu.sync_copy(rows.at[lastb], accum.at[dstv.at[NCHUNK - 1]], add=True)

    plsc.subcore_barrier()
    pltpu.sync_copy(
        accum.at[pl.ds(sid * ROWS_PER_TILE, ROWS_PER_TILE)],
        agg_out.at[cid, pl.ds(sid * ROWS_PER_TILE, ROWS_PER_TILE)])

  return _sc_deg, _sc_agg


_RB = 1024
_NROWB = NPAD // _RB


def _tc1_body(deg_ref, x_ref, w_ref, u_ref):
  d = deg_ref[0] + deg_ref[1] + 1.0
  dinv = lax.rsqrt(d)
  u_ref[...] = dinv * jnp.dot(x_ref[...], w_ref[...],
                              preferred_element_type=jnp.float32)


def _tc_mid_body(deg_ref, p_ref, u_ref, b_ref, w_ref, o_ref):
  dinv = lax.rsqrt(deg_ref[0] + deg_ref[1] + 1.0)
  h = jnp.maximum(dinv * (p_ref[0] + p_ref[1] + u_ref[...]) + b_ref[...], 0.0)
  o_ref[...] = dinv * jnp.dot(h, w_ref[...],
                              preferred_element_type=jnp.float32)


def _tc_head_body(deg_ref, p_ref, u_ref, b_ref, w_ref, bh_ref, o_ref):
  dinv = lax.rsqrt(deg_ref[0] + deg_ref[1] + 1.0)
  h = jnp.maximum(dinv * (p_ref[0] + p_ref[1] + u_ref[...]) + b_ref[...], 0.0)
  o_ref[...] = jnp.dot(h, w_ref[...],
                       preferred_element_type=jnp.float32) + bh_ref[...]


_deg_spec = pl.BlockSpec((NC, _RB, 1), lambda i: (0, i, 0))
_row_spec = pl.BlockSpec((_RB, D), lambda i: (i, 0))
_p_spec = pl.BlockSpec((NC, _RB, D), lambda i: (0, i, 0))
_w_spec = pl.BlockSpec((D, D), lambda i: (0, 0))
_b_spec = pl.BlockSpec((1, D), lambda i: (0, 0))
_f32 = jnp.float32


def _tc1(degc, x_pad, W1):
  return pl.pallas_call(
      _tc1_body,
      grid=(_NROWB,),
      in_specs=[_deg_spec, _row_spec, _w_spec],
      out_specs=_row_spec,
      out_shape=jax.ShapeDtypeStruct((NPAD, D), _f32),
  )(degc, x_pad, W1)


def _tc_mid(degc, parts, u, b, W):
  return pl.pallas_call(
      _tc_mid_body,
      grid=(_NROWB,),
      in_specs=[_deg_spec, _p_spec, _row_spec, _b_spec, _w_spec],
      out_specs=_row_spec,
      out_shape=jax.ShapeDtypeStruct((NPAD, D), _f32),
  )(degc, parts, u, b, W)


def _tc_head(degc, parts, u, b, Wh, bh):
  return pl.pallas_call(
      _tc_head_body,
      grid=(_NROWB,),
      in_specs=[_deg_spec, _p_spec, _row_spec, _b_spec, _w_spec, _b_spec],
      out_specs=_row_spec,
      out_shape=jax.ShapeDtypeStruct((NPAD, D), _f32),
  )(degc, parts, u, b, Wh, bh)


@jax.jit
def kernel(x, edge_index, W1, b1, W2, b2, Wt, bt, We, be):
  src = edge_index[0].astype(jnp.int32)
  dst = edge_index[1].astype(jnp.int32)

  npad_e = EPAD - E
  pad_idx = N + (jnp.arange(npad_e, dtype=jnp.int32) % (NPAD - N))
  src_t = jnp.concatenate([src, pad_idx]).reshape(NC * NS, NCHUNK, CHUNK)
  dst_t = jnp.concatenate([dst, pad_idx]).reshape(NC * NS, NCHUNK, CHUNK)

  x_pad = jnp.zeros((NPAD, D), _f32).at[:N].set(x)

  sc_deg, sc_agg = _sc_kernels()
  deg_part = sc_deg(dst_t)
  degc = deg_part.reshape(NC, NPAD, 1)

  b1r = b1.reshape(1, D)
  b2r = b2.reshape(1, D)
  Wh = jnp.zeros((D, D), _f32).at[:, 0:1].set(Wt).at[:, 1:2].set(We)
  bh = jnp.zeros((1, D), _f32).at[0, 0].set(bt[0]).at[0, 1].set(be[0])

  u1 = _tc1(degc, x_pad, W1)
  p1 = sc_agg(u1, src_t, dst_t)
  u2 = _tc_mid(degc, p1, u1, b1r, W2)
  p2 = sc_agg(u2, src_t, dst_t)
  out = _tc_head(degc, p2, u2, b2r, Wh, bh)

  return (out[:N, 0:1], out[:N, 1:2])

# --- scband reference (transcript-rebuilt; emitter-appended) ---
"""Pipeline reference for scband-survival-gnn-47682726920388 (READ-ONLY COPY).

The authoritative reference and input builder live on the scoring server;
editing this copy changes nothing except your own understanding.
"""

import jax, jax.numpy as jnp
import numpy as np

N_NODES = 10000
D_IN = 128
D_HID = 128


def _glorot(key, shape):
    fan_in, fan_out = shape[0], shape[1]
    lim = (6.0 / (fan_in + fan_out)) ** 0.5
    return jax.random.uniform(key, shape, jnp.float32, -lim, lim)


def setup_inputs(seed: int = 0) -> dict:
    key = jax.random.key(seed)
    ks = jax.random.split(key, 12)
    x = jax.random.normal(ks[0], (N_NODES, D_IN), dtype=jnp.float32)
    edge_index = jax.random.randint(ks[1], (2, 320000), 0, N_NODES, dtype=jnp.int64)
    W1 = _glorot(ks[2], (D_IN, D_HID))
    b1 = jnp.zeros((D_HID,), jnp.float32)
    W2 = _glorot(ks[3], (D_HID, D_HID))
    b2 = jnp.zeros((D_HID,), jnp.float32)
    Wt = _glorot(ks[4], (D_HID, 1))
    bt = jnp.zeros((1,), jnp.float32)
    We = _glorot(ks[5], (D_HID, 1))
    be = jnp.zeros((1,), jnp.float32)
    return {"x": x, "edge_index": edge_index, "W1": W1, "b1": b1, "W2": W2, "b2": b2, "Wt": Wt, "bt": bt, "We": We, "be": be}


def _gcn_conv(x, src, dst, W, b, num_nodes):
    # PyG GCNConv: add self-loops, symmetric normalization D^-1/2 (A+I) D^-1/2, then linear
    loop = jnp.arange(num_nodes, dtype=src.dtype)
    s = jnp.concatenate([src, loop])
    d = jnp.concatenate([dst, loop])
    deg = jnp.zeros((num_nodes,), jnp.float32).at[d].add(1.0)
    dinv = jnp.where(deg > 0, deg ** -0.5, 0.0)
    norm = dinv[s] * dinv[d]
    h = x @ W
    msg = h[s] * norm[:, None]
    out = jnp.zeros((num_nodes, h.shape[1]), jnp.float32).at[d].add(msg)
    return out + b


def reference(x, edge_index, W1, b1, W2, b2, Wt, bt, We, be):
    src, dst = edge_index[0], edge_index[1]
    n = x.shape[0]
    h = jax.nn.relu(_gcn_conv(x, src, dst, W1, b1, n))
    h = jax.nn.relu(_gcn_conv(h, src, dst, W2, b2, n))
    # dropout is identity in eval mode (deterministic reference)
    survival_time = h @ Wt + bt
    event_status = h @ We + be
    return (survival_time, event_status)

if __name__ == "__main__":
    import jax
    _d = setup_inputs()
    print(jax.jit(kernel)(*tuple(_d.values())))

</pallas_src>

<mosaic_0001>
#map = affine_map<(d0, d1) -> (0, 0, 0)>
#map1 = affine_map<(d0, d1) -> (0, 0)>
module attributes {stable_mosaic.version = 14 : i64} {
  func.func @_sc_deg(%arg0: i32, %arg1: i32, %arg2: memref<32x79x128xi32, #tpu.memory_space<hbm>>, %arg3: memref<2x10240xf32, #tpu.memory_space<hbm>>, %arg4: memref<79x128xi32, #tpu.memory_space<vmem>>, %arg5: memref<128xf32, #tpu.memory_space<vmem>>, %arg6: memref<640xf32, #tpu.memory_space<vmem>>, %arg7: memref<10240xf32, #tpu.memory_space<vmem_shared>>) attributes {dimension_semantics = [#tpu.dimension_semantics<core_parallel>, #tpu.dimension_semantics<subcore_parallel>], iteration_bounds = array<i64: 2, 16>, scalar_prefetch = 0 : i64, scratch_operands = 4 : i64, tpu.core_type = #tpu.core_type<sc_vector_subcore>, window_params = [{transform_indices = #map}, {transform_indices = #map1}]} {
    %mul3A = arith.constant 2 : i32
    %mul3A_0 = arith.muli %arg1, %mul3A : i32
    %add3A = arith.addi %mul3A_0, %arg0 : i32
    %scan3A = arith.constant 0 : i32
    %scan3A_1 = arith.constant 0 : i32
    %scan3A_2 = arith.constant 8 : i32
    %scan3A_3 = arith.addi %scan3A_1, %scan3A_2 : i32
    %scan3A_4 = arith.constant 1 : i32
    %scan3A_5 = scf.for %scan3A_28 = %scan3A_1 to %scan3A_3 step %scan3A_4 iter_args(%scan3A_29 = %scan3A) -> (i32)  : i32 {
      %broadcast_in_dim3A = arith.constant 1.000000e+00 : f32
      %broadcast_in_dim3A_30 = vector.broadcast %broadcast_in_dim3A : f32 to vector<16xf32>
      %mul3A_31 = arith.constant 16 : i32
      %mul3A_32 = arith.muli %scan3A_28, %mul3A_31 : i32
      %swap3A = arith.index_cast %mul3A_32 : i32 to index
      %swap3A_33 = tpu.vector_load %arg5[%swap3A] {strides = array<i32>} : memref<128xf32, #tpu.memory_space<vmem>>, vector<16xf32>,
      %swap3A_34 = vector.shape_cast %swap3A_33 : vector<16xf32> to vector<16xf32>
      %swap3A_35 = vector.shape_cast %broadcast_in_dim3A_30 : vector<16xf32> to vector<16xf32>
      tpu.vector_store %arg5[%swap3A], %swap3A_35 {strides = array<i32>} : memref<128xf32, #tpu.memory_space<vmem>>, vector<16xf32>,
      %scan3A_36 = arith.constant 0 : i32
      scf.yield %scan3A_36 : i32
    }
    %scan3A_6 = arith.constant 8 : i32
    %scan3A_7 = arith.constant 0 : i32
    %scan3A_8 = arith.constant 0 : i32
    %scan3A_9 = arith.constant 40 : i32
    %scan3A_10 = arith.addi %scan3A_8, %scan3A_9 : i32
    %scan3A_11 = arith.constant 1 : i32
    %scan3A_12 = scf.for %scan3A_28 = %scan3A_8 to %scan3A_10 step %scan3A_11 iter_args(%scan3A_29 = %scan3A_7) -> (i32)  : i32 {
      %broadcast_in_dim3A = arith.constant 0.000000e+00 : f32
      %broadcast_in_dim3A_30 = vector.broadcast %broadcast_in_dim3A : f32 to vector<16xf32>
      %mul3A_31 = arith.constant 16 : i32
      %mul3A_32 = arith.muli %scan3A_28, %mul3A_31 : i32
      %swap3A = arith.index_cast %mul3A_32 : i32 to index
      %swap3A_33 = tpu.vector_load %arg6[%swap3A] {strides = array<i32>} : memref<640xf32, #tpu.memory_space<vmem>>, vector<16xf32>,
      %swap3A_34 = vector.shape_cast %swap3A_33 : vector<16xf32> to vector<16xf32>
      %swap3A_35 = vector.shape_cast %broadcast_in_dim3A_30 : vector<16xf32> to vector<16xf32>
      tpu.vector_store %arg6[%swap3A], %swap3A_35 {strides = array<i32>} : memref<640xf32, #tpu.memory_space<vmem>>, vector<16xf32>,
      %scan3A_36 = arith.constant 0 : i32
      scf.yield %scan3A_36 : i32
    }
    %scan3A_13 = arith.constant 40 : i32
    %mul3A_14 = arith.constant 640 : i32
    %mul3A_15 = arith.muli %arg1, %mul3A_14 : i32
    "tpu.region"() ({
      %run_scoped3A = tpu.sem_alloc : memref<!tpu.dma_semaphore, #tpu.memory_space<semaphore_mem>>
      %dma_start3A = tpu.memref_slice %arg7[%mul3A_15] : memref<10240xf32, #tpu.memory_space<vmem_shared>> -> memref<640xf32, #tpu.memory_space<vmem_shared>>
      %dma_start3A_28 = tpu.memref_slice %arg7[%mul3A_15] : memref<10240xf32, #tpu.memory_space<vmem_shared>> -> memref<640xf32, #tpu.memory_space<vmem_shared>>
      tpu.enqueue_dma source(%arg6 : memref<640xf32, #tpu.memory_space<vmem>>) target(%dma_start3A_28 : memref<640xf32, #tpu.memory_space<vmem_shared>>) target_semaphore(%run_scoped3A : memref<!tpu.dma_semaphore, #tpu.memory_space<semaphore_mem>>)
      %dma_wait3A = tpu.memref_slice %arg7[%mul3A_15] : memref<10240xf32, #tpu.memory_space<vmem_shared>> -> memref<640xf32, #tpu.memory_space<vmem_shared>>
      %dma_wait3A_29 = tpu.memref_slice %arg7[%mul3A_15] : memref<10240xf32, #tpu.memory_space<vmem_shared>> -> memref<640xf32, #tpu.memory_space<vmem_shared>>
      tpu.wait_dma2 semaphore(%run_scoped3A : memref<!tpu.dma_semaphore, #tpu.memory_space<semaphore_mem>>) src(%arg6 : memref<640xf32, #tpu.memory_space<vmem>>) dst(%dma_wait3A_29 : memref<640xf32, #tpu.memory_space<vmem_shared>>)
      tpu.yield
    }) : () -> ()
    "tpu.region"() ({
      %run_scoped3A = tpu.sem_alloc : memref<!tpu.dma_semaphore, #tpu.memory_space<semaphore_mem>>
      %dma_start3A = arith.constant 0 : i32
      %dma_start3A_28 = arith.constant 0 : i32
      %dma_start3A_29 = tpu.memref_slice %arg2[%add3A, %dma_start3A, %dma_start3A_28] : memref<32x79x128xi32, #tpu.memory_space<hbm>> -> memref<1x79x128xi32, #tpu.memory_space<hbm>>
      %dma_start3A_30 = tpu.memref_squeeze %dma_start3A_29 : memref<1x79x128xi32, #tpu.memory_space<hbm>> -> memref<79x128xi32, #tpu.memory_space<hbm>>
      %dma_start3A_31 = arith.constant 0 : i32
      %dma_start3A_32 = arith.constant 0 : i32
      %dma_start3A_33 = tpu.memref_slice %arg2[%add3A, %dma_start3A_31, %dma_start3A_32] : memref<32x79x128xi32, #tpu.memory_space<hbm>> -> memref<1x79x128xi32, #tpu.memory_space<hbm>>
      %dma_start3A_34 = tpu.memref_squeeze %dma_start3A_33 : memref<1x79x128xi32, #tpu.memory_space<hbm>> -> memref<79x128xi32, #tpu.memory_space<hbm>>
      tpu.enqueue_dma source(%dma_start3A_34 : memref<79x128xi32, #tpu.memory_space<hbm>>) target(%arg4 : memref<79x128xi32, #tpu.memory_space<vmem>>) target_semaphore(%run_scoped3A : memref<!tpu.dma_semaphore, #tpu.memory_space<semaphore_mem>>)
      %dma_wait3A = arith.constant 0 : i32
      %dma_wait3A_35 = arith.constant 0 : i32
      %dma_wait3A_36 = tpu.memref_slice %arg2[%add3A, %dma_wait3A, %dma_wait3A_35] : memref<32x79x128xi32, #tpu.memory_space<hbm>> -> memref<1x79x128xi32, #tpu.memory_space<hbm>>
      %dma_wait3A_37 = tpu.memref_squeeze %dma_wait3A_36 : memref<1x79x128xi32, #tpu.memory_space<hbm>> -> memref<79x128xi32, #tpu.memory_space<hbm>>
      %dma_wait3A_38 = arith.constant 0 : i32
      %dma_wait3A_39 = arith.constant 0 : i32
      %dma_wait3A_40 = tpu.memref_slice %arg2[%add3A, %dma_wait3A_38, %dma_wait3A_39] : memref<32x79x128xi32, #tpu.memory_space<hbm>> -> memref<1x79x128xi32, #tpu.memory_space<hbm>>
      %dma_wait3A_41 = tpu.memref_squeeze %dma_wait3A_40 : memref<1x79x128xi32, #tpu.memory_space<hbm>> -> memref<79x128xi32, #tpu.memory_space<hbm>>
      tpu.wait_dma2 semaphore(%run_scoped3A : memref<!tpu.dma_semaphore, #tpu.memory_space<semaphore_mem>>) src(%dma_wait3A_41 : memref<79x128xi32, #tpu.memory_space<hbm>>) dst(%arg4 : memref<79x128xi32, #tpu.memory_space<vmem>>)
      tpu.yield
    }) : () -> ()
    %barrier3A = arith.constant 0 : index
    tpu.barrier barrier_id(%barrier3A)
    %scan3A_16 = arith.constant 0 : i32
    %scan3A_17 = arith.constant 0 : i32
    %scan3A_18 = arith.constant 79 : i32
    %scan3A_19 = arith.addi %scan3A_17, %scan3A_18 : i32
    %scan3A_20 = arith.constant 1 : i32
    %scan3A_21 = scf.for %scan3A_28 = %scan3A_17 to %scan3A_19 step %scan3A_20 iter_args(%scan3A_29 = %scan3A_16) -> (i32)  : i32 {
      "tpu.region"() ({
        %run_scoped3A = tpu.sem_alloc : memref<!tpu.dma_semaphore, #tpu.memory_space<semaphore_mem>>
        %dma_start3A = arith.constant 0 : i32
        %dma_start3A_31 = tpu.memref_slice %arg4[%scan3A_28, %dma_start3A] : memref<79x128xi32, #tpu.memory_space<vmem>> -> memref<1x128xi32, #tpu.memory_space<vmem>>
        %dma_start3A_32 = tpu.memref_squeeze %dma_start3A_31 : memref<1x128xi32, #tpu.memory_space<vmem>> -> memref<128xi32, #tpu.memory_space<vmem>>
        %dma_start3A_33 = arith.constant 0 : i32
        %dma_start3A_34 = tpu.memref_slice %arg7[%dma_start3A_33] : memref<10240xf32, #tpu.memory_space<vmem_shared>> -> memref<10240xf32, #tpu.memory_space<vmem_shared>>
        tpu.enqueue_indirect_dma source(%arg5 : memref<128xf32, #tpu.memory_space<vmem>>) target(%dma_start3A_34 : memref<10240xf32, #tpu.memory_space<vmem_shared>>) offsets(%dma_start3A_32 : memref<128xi32, #tpu.memory_space<vmem>>) semaphore(%run_scoped3A : memref<!tpu.dma_semaphore, #tpu.memory_space<semaphore_mem>>) {add = true}
        %dma_wait3A = arith.constant 0 : i32
        %dma_wait3A_35 = tpu.memref_slice %arg4[%scan3A_28, %dma_wait3A] : memref<79x128xi32, #tpu.memory_space<vmem>> -> memref<1x128xi32, #tpu.memory_space<vmem>>
        %dma_wait3A_36 = tpu.memref_squeeze %dma_wait3A_35 : memref<1x128xi32, #tpu.memory_space<vmem>> -> memref<128xi32, #tpu.memory_space<vmem>>
        %dma_wait3A_37 = arith.constant 0 : i32
        %dma_wait3A_38 = tpu.memref_slice %arg7[%dma_wait3A_37] : memref<10240xf32, #tpu.memory_space<vmem_shared>> -> memref<10240xf32, #tpu.memory_space<vmem_shared>>
        tpu.wait_indirect_dma semaphore(%run_scoped3A : memref<!tpu.dma_semaphore, #tpu.memory_space<semaphore_mem>>) src(%arg5 : memref<128xf32, #tpu.memory_space<vmem>>) dst(%dma_wait3A_38 : memref<10240xf32, #tpu.memory_space<vmem_shared>>)
        tpu.yield
      }) : () -> ()
      %scan3A_30 = arith.constant 0 : i32
      scf.yield %scan3A_30 : i32
    }
    %scan3A_22 = arith.constant 79 : i32
    %barrier3A_23 = arith.constant 0 : index
    tpu.barrier barrier_id(%barrier3A_23)
    %mul3A_24 = arith.constant 640 : i32
    %mul3A_25 = arith.muli %arg1, %mul3A_24 : i32
    %mul3A_26 = arith.constant 640 : i32
    %mul3A_27 = arith.muli %arg1, %mul3A_26 : i32
    "tpu.region"() ({
      %run_scoped3A = tpu.sem_alloc : memref<!tpu.dma_semaphore, #tpu.memory_space<semaphore_mem>>
      %dma_start3A = tpu.memref_slice %arg3[%arg0, %mul3A_27] : memref<2x10240xf32, #tpu.memory_space<hbm>> -> memref<1x640xf32, #tpu.memory_space<hbm>>
      %dma_start3A_28 = tpu.memref_squeeze %dma_start3A : memref<1x640xf32, #tpu.memory_space<hbm>> -> memref<640xf32, #tpu.memory_space<hbm>>
      %dma_start3A_29 = tpu.memref_slice %arg7[%mul3A_25] : memref<10240xf32, #tpu.memory_space<vmem_shared>> -> memref<640xf32, #tpu.memory_space<vmem_shared>>
      tpu.enqueue_dma source(%dma_start3A_29 : memref<640xf32, #tpu.memory_space<vmem_shared>>) target(%dma_start3A_28 : memref<640xf32, #tpu.memory_space<hbm>>) target_semaphore(%run_scoped3A : memref<!tpu.dma_semaphore, #tpu.memory_space<semaphore_mem>>)
      %dma_wait3A = tpu.memref_slice %arg3[%arg0, %mul3A_27] : memref<2x10240xf32, #tpu.memory_space<hbm>> -> memref<1x640xf32, #tpu.memory_space<hbm>>
      %dma_wait3A_30 = tpu.memref_squeeze %dma_wait3A : memref<1x640xf32, #tpu.memory_space<hbm>> -> memref<640xf32, #tpu.memory_space<hbm>>
      %dma_wait3A_31 = tpu.memref_slice %arg7[%mul3A_25] : memref<10240xf32, #tpu.memory_space<vmem_shared>> -> memref<640xf32, #tpu.memory_space<vmem_shared>>
      tpu.wait_dma2 semaphore(%run_scoped3A : memref<!tpu.dma_semaphore, #tpu.memory_space<semaphore_mem>>) src(%dma_wait3A_31 : memref<640xf32, #tpu.memory_space<vmem_shared>>) dst(%dma_wait3A_30 : memref<640xf32, #tpu.memory_space<hbm>>)
      tpu.yield
    }) : () -> ()
    return
  }
}

#map = affine_map<(d0, d1) -> (0, 0)>
#map1 = affine_map<(d0, d1) -> (0, 0, 0)>
module attributes {stable_mosaic.version = 14 : i64} {
  func.func @_sc_agg(%arg0: i32, %arg1: i32, %arg2: memref<10240x128xf32, #tpu.memory_space<hbm>>, %arg3: memref<32x79x128xi32, #tpu.memory_space<hbm>>, %arg4: memref<32x79x128xi32, #tpu.memory_space<hbm>>, %arg5: memref<2x10240x128xf32, #tpu.memory_space<hbm>>, %arg6: memref<79x128xi32, #tpu.memory_space<vmem>>, %arg7: memref<2x128xi32, #tpu.memory_space<vmem>>, %arg8: memref<2x128x128xf32, #tpu.memory_space<vmem>>, %arg9: memref<16x128xf32, #tpu.memory_space<vmem>>, %arg10: memref<10240x128xf32, #tpu.memory_space<vmem_shared>>, %arg11: memref<!tpu.dma_semaphore, #tpu.memory_space<semaphore_mem>>, %arg12: memref<!tpu.dma_semaphore, #tpu.memory_space<semaphore_mem>>) attributes {dimension_semantics = [#tpu.dimension_semantics<core_parallel>, #tpu.dimension_semantics<subcore_parallel>], iteration_bounds = array<i64: 2, 16>, scalar_prefetch = 0 : i64, scratch_operands = 7 : i64, tpu.core_type = #tpu.core_type<sc_vector_subcore>, window_params = [{transform_indices = #map}, {transform_indices = #map1}, {transform_indices = #map1}, {transform_indices = #map1}]} {
    %mul3A = arith.constant 2 : i32
    %mul3A_0 = arith.muli %arg1, %mul3A : i32
    %add3A = arith.addi %mul3A_0, %arg0 : i32
    %scan3A = arith.constant 0 : i32
    %scan3A_1 = arith.constant 0 : i32
    %scan3A_2 = arith.constant 128 : i32
    %scan3A_3 = arith.addi %scan3A_1, %scan3A_2 : i32
    %scan3A_4 = arith.constant 1 : i32
    %scan3A_5 = scf.for %scan3A_66 = %scan3A_1 to %scan3A_3 step %scan3A_4 iter_args(%scan3A_67 = %scan3A) -> (i32)  : i32 {
      %broadcast_in_dim3A = arith.constant 0.000000e+00 : f32
      %broadcast_in_dim3A_68 = vector.broadcast %broadcast_in_dim3A : f32 to vector<16xf32>
      %jit3A = arith.constant 8 : i32
      %div3A = arith.divsi %scan3A_66, %jit3A : i32
      %sign3A = arith.constant 0 : i32
      %sign3A_69 = arith.cmpi sgt, %scan3A_66, %sign3A : i32
      %sign3A_70 = arith.extui %sign3A_69 : i1 to i32
      %sign3A_71 = arith.constant 0 : i32
      %sign3A_72 = arith.cmpi slt, %scan3A_66, %sign3A_71 : i32
      %sign3A_73 = arith.extui %sign3A_72 : i1 to i32
      %sign3A_74 = arith.subi %sign3A_70, %sign3A_73 : i32
      %sign3A_75 = arith.constant 0 : i32
      %sign3A_76 = arith.cmpi sgt, %jit3A, %sign3A_75 : i32
      %sign3A_77 = arith.extui %sign3A_76 : i1 to i32
      %sign3A_78 = arith.constant 0 : i32
      %sign3A_79 = arith.cmpi slt, %jit3A, %sign3A_78 : i32
      %sign3A_80 = arith.extui %sign3A_79 : i1 to i32
      %sign3A_81 = arith.subi %sign3A_77, %sign3A_80 : i32
      %ne3A = arith.cmpi ne, %sign3A_74, %sign3A_81 : i32
      %rem3A = arith.remsi %scan3A_66, %jit3A : i32
      %ne3A_82 = arith.constant 0 : i32
      %ne3A_83 = arith.cmpi ne, %rem3A, %ne3A_82 : i32
      %and3A = arith.andi %ne3A, %ne3A_83 : i1
      %sub3A = arith.constant 1 : i32
      %sub3A_84 = arith.subi %div3A, %sub3A : i32
      %select_n3A = arith.select %and3A, %sub3A_84, %div3A : i32
      %jit3A_85 = arith.constant 8 : i32
      %eq3A = arith.constant 0 : i32
      %eq3A_86 = arith.cmpi eq, %jit3A_85, %eq3A : i32
      %jit3A_87 = arith.constant 1 : i32
      %select_n3A_88 = arith.select %eq3A_86, %jit3A_87, %jit3A_85 : i32
      %rem3A_89 = arith.remsi %scan3A_66, %select_n3A_88 : i32
      %ne3A_90 = arith.constant 0 : i32
      %ne3A_91 = arith.cmpi ne, %rem3A_89, %ne3A_90 : i32
      %lt3A = arith.constant 0 : i32
      %lt3A_92 = arith.cmpi slt, %rem3A_89, %lt3A : i32
      %lt3A_93 = arith.constant 0 : i32
      %lt3A_94 = arith.cmpi slt, %select_n3A_88, %lt3A_93 : i32
      %ne3A_95 = arith.xori %lt3A_92, %lt3A_94 : i1
      %and3A_96 = arith.andi %ne3A_95, %ne3A_91 : i1
      %add3A_97 = arith.addi %rem3A_89, %select_n3A_88 : i32
      %select_n3A_98 = arith.select %and3A_96, %add3A_97, %rem3A_89 : i32
      %mul3A_99 = arith.constant 16 : i32
      %mul3A_100 = arith.muli %select_n3A_98, %mul3A_99 : i32
      %swap3A = arith.index_cast %select_n3A : i32 to index
      %swap3A_101 = arith.index_cast %mul3A_100 : i32 to index
      %swap3A_102 = tpu.vector_load %arg9[%swap3A, %swap3A_101] {strides = array<i32>} : memref<16x128xf32, #tpu.memory_space<vmem>>, vector<1x16xf32>,
      %swap3A_103 = vector.shape_cast %swap3A_102 : vector<1x16xf32> to vector<16xf32>
      %swap3A_104 = vector.shape_cast %broadcast_in_dim3A_68 : vector<16xf32> to vector<1x16xf32>
      tpu.vector_store %arg9[%swap3A, %swap3A_101], %swap3A_104 {strides = array<i32>} : memref<16x128xf32, #tpu.memory_space<vmem>>, vector<1x16xf32>,
      %scan3A_105 = arith.constant 0 : i32
      scf.yield %scan3A_105 : i32
    }
    %scan3A_6 = arith.constant 128 : i32
    %scan3A_7 = arith.constant 0 : i32
    %scan3A_8 = arith.constant 0 : i32
    %scan3A_9 = arith.constant 40 : i32
    %scan3A_10 = arith.addi %scan3A_8, %scan3A_9 : i32
    %scan3A_11 = arith.constant 1 : i32
    %scan3A_12 = scf.for %scan3A_66 = %scan3A_8 to %scan3A_10 step %scan3A_11 iter_args(%scan3A_67 = %scan3A_7) -> (i32)  : i32 {
      %mul3A_68 = arith.constant 640 : i32
      %mul3A_69 = arith.muli %arg1, %mul3A_68 : i32
      %mul3A_70 = arith.constant 16 : i32
      %mul3A_71 = arith.muli %scan3A_66, %mul3A_70 : i32
      %add3A_72 = arith.addi %mul3A_69, %mul3A_71 : i32
      "tpu.region"() ({
        %run_scoped3A_74 = tpu.sem_alloc : memref<!tpu.dma_semaphore, #tpu.memory_space<semaphore_mem>>
        %dma_start3A_75 = arith.constant 0 : i32
        %dma_start3A_76 = tpu.memref_slice %arg10[%add3A_72, %dma_start3A_75] : memref<10240x128xf32, #tpu.memory_space<vmem_shared>> -> memref<16x128xf32, #tpu.memory_space<vmem_shared>>
        %dma_start3A_77 = arith.constant 0 : i32
        %dma_start3A_78 = tpu.memref_slice %arg10[%add3A_72, %dma_start3A_77] : memref<10240x128xf32, #tpu.memory_space<vmem_shared>> -> memref<16x128xf32, #tpu.memory_space<vmem_shared>>
        tpu.enqueue_dma source(%arg9 : memref<16x128xf32, #tpu.memory_space<vmem>>) target(%dma_start3A_78 : memref<16x128xf32, #tpu.memory_space<vmem_shared>>) target_semaphore(%run_scoped3A_74 : memref<!tpu.dma_semaphore, #tpu.memory_space<semaphore_mem>>)
        %dma_wait3A_79 = arith.constant 0 : i32
        %dma_wait3A_80 = tpu.memref_slice %arg10[%add3A_72, %dma_wait3A_79] : memref<10240x128xf32, #tpu.memory_space<vmem_shared>> -> memref<16x128xf32, #tpu.memory_space<vmem_shared>>
        %dma_wait3A_81 = arith.constant 0 : i32
        %dma_wait3A_82 = tpu.memref_slice %arg10[%add3A_72, %dma_wait3A_81] : memref<10240x128xf32, #tpu.memory_space<vmem_shared>> -> memref<16x128xf32, #tpu.memory_space<vmem_shared>>
        tpu.wait_dma2 semaphore(%run_scoped3A_74 : memref<!tpu.dma_semaphore, #tpu.memory_space<semaphore_mem>>) src(%arg9 : memref<16x128xf32, #tpu.memory_space<vmem>>) dst(%dma_wait3A_82 : memref<16x128xf32, #tpu.memory_space<vmem_shared>>)
        tpu.yield
      }) : () -> ()
      %scan3A_73 = arith.constant 0 : i32
      scf.yield %scan3A_73 : i32
    }
    %scan3A_13 = arith.constant 40 : i32
    "tpu.region"() ({
      %run_scoped3A_66 = tpu.sem_alloc : memref<!tpu.dma_semaphore, #tpu.memory_space<semaphore_mem>>
      %dma_start3A_67 = arith.constant 0 : i32
      %dma_start3A_68 = arith.constant 0 : i32
      %dma_start3A_69 = tpu.memref_slice %arg4[%add3A, %dma_start3A_67, %dma_start3A_68] : memref<32x79x128xi32, #tpu.memory_space<hbm>> -> memref<1x79x128xi32, #tpu.memory_space<hbm>>
      %dma_start3A_70 = tpu.memref_squeeze %dma_start3A_69 : memref<1x79x128xi32, #tpu.memory_space<hbm>> -> memref<79x128xi32, #tpu.memory_space<hbm>>
      %dma_start3A_71 = arith.constant 0 : i32
      %dma_start3A_72 = arith.constant 0 : i32
      %dma_start3A_73 = tpu.memref_slice %arg4[%add3A, %dma_start3A_71, %dma_start3A_72] : memref<32x79x128xi32, #tpu.memory_space<hbm>> -> memref<1x79x128xi32, #tpu.memory_space<hbm>>
      %dma_start3A_74 = tpu.memref_squeeze %dma_start3A_73 : memref<1x79x128xi32, #tpu.memory_space<hbm>> -> memref<79x128xi32, #tpu.memory_space<hbm>>
      tpu.enqueue_dma source(%dma_start3A_74 : memref<79x128xi32, #tpu.memory_space<hbm>>) target(%arg6 : memref<79x128xi32, #tpu.memory_space<vmem>>) target_semaphore(%run_scoped3A_66 : memref<!tpu.dma_semaphore, #tpu.memory_space<semaphore_mem>>)
      %dma_wait3A_75 = arith.constant 0 : i32
      %dma_wait3A_76 = arith.constant 0 : i32
      %dma_wait3A_77 = tpu.memref_slice %arg4[%add3A, %dma_wait3A_75, %dma_wait3A_76] : memref<32x79x128xi32, #tpu.memory_space<hbm>> -> memref<1x79x128xi32, #tpu.memory_space<hbm>>
      %dma_wait3A_78 = tpu.memref_squeeze %dma_wait3A_77 : memref<1x79x128xi32, #tpu.memory_space<hbm>> -> memref<79x128xi32, #tpu.memory_space<hbm>>
      %dma_wait3A_79 = arith.constant 0 : i32
      %dma_wait3A_80 = arith.constant 0 : i32
      %dma_wait3A_81 = tpu.memref_slice %arg4[%add3A, %dma_wait3A_79, %dma_wait3A_80] : memref<32x79x128xi32, #tpu.memory_space<hbm>> -> memref<1x79x128xi32, #tpu.memory_space<hbm>>
      %dma_wait3A_82 = tpu.memref_squeeze %dma_wait3A_81 : memref<1x79x128xi32, #tpu.memory_space<hbm>> -> memref<79x128xi32, #tpu.memory_space<hbm>>
      tpu.wait_dma2 semaphore(%run_scoped3A_66 : memref<!tpu.dma_semaphore, #tpu.memory_space<semaphore_mem>>) src(%dma_wait3A_82 : memref<79x128xi32, #tpu.memory_space<hbm>>) dst(%arg6 : memref<79x128xi32, #tpu.memory_space<vmem>>)
      tpu.yield
    }) : () -> ()
    %barrier3A = arith.constant 0 : index
    tpu.barrier barrier_id(%barrier3A)
    %run_scoped3A = arith.constant 0 : i32
    %run_scoped3A_14 = arith.constant 0 : i32
    "tpu.region"() ({
      %run_scoped3A_66 = tpu.sem_alloc : memref<!tpu.dma_semaphore, #tpu.memory_space<semaphore_mem>>
      %dma_start3A_67 = arith.constant 0 : i32
      %dma_start3A_68 = tpu.memref_slice %arg7[%run_scoped3A_14, %dma_start3A_67] : memref<2x128xi32, #tpu.memory_space<vmem>> -> memref<1x128xi32, #tpu.memory_space<vmem>>
      %dma_start3A_69 = tpu.memref_squeeze %dma_start3A_68 : memref<1x128xi32, #tpu.memory_space<vmem>> -> memref<128xi32, #tpu.memory_space<vmem>>
      %dma_start3A_70 = arith.constant 0 : i32
      %dma_start3A_71 = tpu.memref_slice %arg3[%add3A, %run_scoped3A, %dma_start3A_70] : memref<32x79x128xi32, #tpu.memory_space<hbm>> -> memref<1x1x128xi32, #tpu.memory_space<hbm>>
      %dma_start3A_72 = tpu.memref_squeeze %dma_start3A_71 : memref<1x1x128xi32, #tpu.memory_space<hbm>> -> memref<128xi32, #tpu.memory_space<hbm>>
      %dma_start3A_73 = arith.constant 0 : i32
      %dma_start3A_74 = tpu.memref_slice %arg7[%run_scoped3A_14, %dma_start3A_73] : memref<2x128xi32, #tpu.memory_space<vmem>> -> memref<1x128xi32, #tpu.memory_space<vmem>>
      %dma_start3A_75 = tpu.memref_squeeze %dma_start3A_74 : memref<1x128xi32, #tpu.memory_space<vmem>> -> memref<128xi32, #tpu.memory_space<vmem>>
      %dma_start3A_76 = arith.constant 0 : i32
      %dma_start3A_77 = tpu.memref_slice %arg3[%add3A, %run_scoped3A, %dma_start3A_76] : memref<32x79x128xi32, #tpu.memory_space<hbm>> -> memref<1x1x128xi32, #tpu.memory_space<hbm>>
      %dma_start3A_78 = tpu.memref_squeeze %dma_start3A_77 : memref<1x1x128xi32, #tpu.memory_space<hbm>> -> memref<128xi32, #tpu.memory_space<hbm>>
      tpu.enqueue_dma source(%dma_start3A_78 : memref<128xi32, #tpu.memory_space<hbm>>) target(%dma_start3A_75 : memref<128xi32, #tpu.memory_space<vmem>>) target_semaphore(%run_scoped3A_66 : memref<!tpu.dma_semaphore, #tpu.memory_space<semaphore_mem>>)
      %dma_wait3A_79 = arith.constant 0 : i32
      %dma_wait3A_80 = tpu.memref_slice %arg7[%run_scoped3A_14, %dma_wait3A_79] : memref<2x128xi32, #tpu.memory_space<vmem>> -> memref<1x128xi32, #tpu.memory_space<vmem>>
      %dma_wait3A_81 = tpu.memref_squeeze %dma_wait3A_80 : memref<1x128xi32, #tpu.memory_space<vmem>> -> memref<128xi32, #tpu.memory_space<vmem>>
      %dma_wait3A_82 = arith.constant 0 : i32
      %dma_wait3A_83 = tpu.memref_slice %arg3[%add3A, %run_scoped3A, %dma_wait3A_82] : memref<32x79x128xi32, #tpu.memory_space<hbm>> -> memref<1x1x128xi32, #tpu.memory_space<hbm>>
      %dma_wait3A_84 = tpu.memref_squeeze %dma_wait3A_83 : memref<1x1x128xi32, #tpu.memory_space<hbm>> -> memref<128xi32, #tpu.memory_space<hbm>>
      %dma_wait3A_85 = arith.constant 0 : i32
      %dma_wait3A_86 = tpu.memref_slice %arg7[%run_scoped3A_14, %dma_wait3A_85] : memref<2x128xi32, #tpu.memory_space<vmem>> -> memref<1x128xi32, #tpu.memory_space<vmem>>
      %dma_wait3A_87 = tpu.memref_squeeze %dma_wait3A_86 : memref<1x128xi32, #tpu.memory_space<vmem>> -> memref<128xi32, #tpu.memory_space<vmem>>
      %dma_wait3A_88 = arith.constant 0 : i32
      %dma_wait3A_89 = tpu.memref_slice %arg3[%add3A, %run_scoped3A, %dma_wait3A_88] : memref<32x79x128xi32, #tpu.memory_space<hbm>> -> memref<1x1x128xi32, #tpu.memory_space<hbm>>
      %dma_wait3A_90 = tpu.memref_squeeze %dma_wait3A_89 : memref<1x1x128xi32, #tpu.memory_space<hbm>> -> memref<128xi32, #tpu.memory_space<hbm>>
      tpu.wait_dma2 semaphore(%run_scoped3A_66 : memref<!tpu.dma_semaphore, #tpu.memory_space<semaphore_mem>>) src(%dma_wait3A_90 : memref<128xi32, #tpu.memory_space<hbm>>) dst(%dma_wait3A_87 : memref<128xi32, #tpu.memory_space<vmem>>)
      tpu.yield
    }) : () -> ()
    %dma_start3A = arith.constant 0 : i32
    %dma_start3A_15 = arith.constant 0 : i32
    %dma_start3A_16 = arith.constant 0 : i32
    %dma_start3A_17 = arith.constant 0 : i32
    %dma_start3A_18 = tpu.memref_slice %arg8[%dma_start3A_15, %dma_start3A_16, %dma_start3A_17] : memref<2x128x128xf32, #tpu.memory_space<vmem>> -> memref<1x128x128xf32, #tpu.memory_space<vmem>>
    %dma_start3A_19 = tpu.memref_squeeze %dma_start3A_18 : memref<1x128x128xf32, #tpu.memory_space<vmem>> -> memref<128x128xf32, #tpu.memory_space<vmem>>
    %dma_start3A_20 = arith.constant 0 : i32
    %dma_start3A_21 = tpu.memref_slice %arg7[%dma_start3A, %dma_start3A_20] : memref<2x128xi32, #tpu.memory_space<vmem>> -> memref<1x128xi32, #tpu.memory_space<vmem>>
    %dma_start3A_22 = tpu.memref_squeeze %dma_start3A_21 : memref<1x128xi32, #tpu.memory_space<vmem>> -> memref<128xi32, #tpu.memory_space<vmem>>
    %dma_start3A_23 = arith.constant 0 : i32
    %dma_start3A_24 = arith.constant 0 : i32
    %dma_start3A_25 = tpu.memref_slice %arg2[%dma_start3A_23, %dma_start3A_24] : memref<10240x128xf32, #tpu.memory_space<hbm>> -> memref<10240x128xf32, #tpu.memory_space<hbm>>
    tpu.enqueue_indirect_dma source(%dma_start3A_25 : memref<10240x128xf32, #tpu.memory_space<hbm>>) target(%dma_start3A_19 : memref<128x128xf32, #tpu.memory_space<vmem>>) offsets(%dma_start3A_22 : memref<128xi32, #tpu.memory_space<vmem>>) semaphore(%arg11 : memref<!tpu.dma_semaphore, #tpu.memory_space<semaphore_mem>>)
    %scan3A_26 = arith.constant 0 : i32
    %scan3A_27 = arith.constant 0 : i32
    %scan3A_28 = arith.constant 78 : i32
    %scan3A_29 = arith.addi %scan3A_27, %scan3A_28 : i32
    %scan3A_30 = arith.constant 1 : i32
    %scan3A_31 = scf.for %scan3A_66 = %scan3A_27 to %scan3A_29 step %scan3A_30 iter_args(%scan3A_67 = %scan3A_26) -> (i32)  : i32 {
      %jit3A = arith.constant 2 : i32
      %eq3A = arith.constant 0 : i32
      %eq3A_68 = arith.cmpi eq, %jit3A, %eq3A : i32
      %jit3A_69 = arith.constant 1 : i32
      %select_n3A = arith.select %eq3A_68, %jit3A_69, %jit3A : i32
      %rem3A = arith.remsi %scan3A_66, %select_n3A : i32
      %ne3A = arith.constant 0 : i32
      %ne3A_70 = arith.cmpi ne, %rem3A, %ne3A : i32
      %lt3A = arith.constant 0 : i32
      %lt3A_71 = arith.cmpi slt, %rem3A, %lt3A : i32
      %lt3A_72 = arith.constant 0 : i32
      %lt3A_73 = arith.cmpi slt, %select_n3A, %lt3A_72 : i32
      %ne3A_74 = arith.xori %lt3A_71, %lt3A_73 : i1
      %and3A = arith.andi %ne3A_74, %ne3A_70 : i1
      %add3A_75 = arith.addi %rem3A, %select_n3A : i32
      %select_n3A_76 = arith.select %and3A, %add3A_75, %rem3A : i32
      %add3A_77 = arith.constant 1 : i32
      %add3A_78 = arith.addi %scan3A_66, %add3A_77 : i32
      %jit3A_79 = arith.constant 2 : i32
      %eq3A_80 = arith.constant 0 : i32
      %eq3A_81 = arith.cmpi eq, %jit3A_79, %eq3A_80 : i32
      %jit3A_82 = arith.constant 1 : i32
      %select_n3A_83 = arith.select %eq3A_81, %jit3A_82, %jit3A_79 : i32
      %rem3A_84 = arith.remsi %add3A_78, %select_n3A_83 : i32
      %ne3A_85 = arith.constant 0 : i32
      %ne3A_86 = arith.cmpi ne, %rem3A_84, %ne3A_85 : i32
      %lt3A_87 = arith.constant 0 : i32
      %lt3A_88 = arith.cmpi slt, %rem3A_84, %lt3A_87 : i32
      %lt3A_89 = arith.constant 0 : i32
      %lt3A_90 = arith.cmpi slt, %select_n3A_83, %lt3A_89 : i32
      %ne3A_91 = arith.xori %lt3A_88, %lt3A_90 : i1
      %and3A_92 = arith.andi %ne3A_91, %ne3A_86 : i1
      %add3A_93 = arith.addi %rem3A_84, %select_n3A_83 : i32
      %select_n3A_94 = arith.select %and3A_92, %add3A_93, %rem3A_84 : i32
      %add3A_95 = arith.constant 1 : i32
      %add3A_96 = arith.addi %scan3A_66, %add3A_95 : i32
      "tpu.region"() ({
        %run_scoped3A_130 = tpu.sem_alloc : memref<!tpu.dma_semaphore, #tpu.memory_space<semaphore_mem>>
        %dma_start3A_131 = arith.constant 0 : i32
        %dma_start3A_132 = tpu.memref_slice %arg7[%select_n3A_94, %dma_start3A_131] : memref<2x128xi32, #tpu.memory_space<vmem>> -> memref<1x128xi32, #tpu.memory_space<vmem>>
        %dma_start3A_133 = tpu.memref_squeeze %dma_start3A_132 : memref<1x128xi32, #tpu.memory_space<vmem>> -> memref<128xi32, #tpu.memory_space<vmem>>
        %dma_start3A_134 = arith.constant 0 : i32
        %dma_start3A_135 = tpu.memref_slice %arg3[%add3A, %add3A_96, %dma_start3A_134] : memref<32x79x128xi32, #tpu.memory_space<hbm>> -> memref<1x1x128xi32, #tpu.memory_space<hbm>>
        %dma_start3A_136 = tpu.memref_squeeze %dma_start3A_135 : memref<1x1x128xi32, #tpu.memory_space<hbm>> -> memref<128xi32, #tpu.memory_space<hbm>>
        %dma_start3A_137 = arith.constant 0 : i32
        %dma_start3A_138 = tpu.memref_slice %arg7[%select_n3A_94, %dma_start3A_137] : memref<2x128xi32, #tpu.memory_space<vmem>> -> memref<1x128xi32, #tpu.memory_space<vmem>>
        %dma_start3A_139 = tpu.memref_squeeze %dma_start3A_138 : memref<1x128xi32, #tpu.memory_space<vmem>> -> memref<128xi32, #tpu.memory_space<vmem>>
        %dma_start3A_140 = arith.constant 0 : i32
        %dma_start3A_141 = tpu.memref_slice %arg3[%add3A, %add3A_96, %dma_start3A_140] : memref<32x79x128xi32, #tpu.memory_space<hbm>> -> memref<1x1x128xi32, #tpu.memory_space<hbm>>
        %dma_start3A_142 = tpu.memref_squeeze %dma_start3A_141 : memref<1x1x128xi32, #tpu.memory_space<hbm>> -> memref<128xi32, #tpu.memory_space<hbm>>
        tpu.enqueue_dma source(%dma_start3A_142 : memref<128xi32, #tpu.memory_space<hbm>>) target(%dma_start3A_139 : memref<128xi32, #tpu.memory_space<vmem>>) target_semaphore(%run_scoped3A_130 : memref<!tpu.dma_semaphore, #tpu.memory_space<semaphore_mem>>)
        %dma_wait3A_143 = arith.constant 0 : i32
        %dma_wait3A_144 = tpu.memref_slice %arg7[%select_n3A_94, %dma_wait3A_143] : memref<2x128xi32, #tpu.memory_space<vmem>> -> memref<1x128xi32, #tpu.memory_space<vmem>>
        %dma_wait3A_145 = tpu.memref_squeeze %dma_wait3A_144 : memref<1x128xi32, #tpu.memory_space<vmem>> -> memref<128xi32, #tpu.memory_space<vmem>>
        %dma_wait3A_146 = arith.constant 0 : i32
        %dma_wait3A_147 = tpu.memref_slice %arg3[%add3A, %add3A_96, %dma_wait3A_146] : memref<32x79x128xi32, #tpu.memory_space<hbm>> -> memref<1x1x128xi32, #tpu.memory_space<hbm>>
        %dma_wait3A_148 = tpu.memref_squeeze %dma_wait3A_147 : memref<1x1x128xi32, #tpu.memory_space<hbm>> -> memref<128xi32, #tpu.memory_space<hbm>>
        %dma_wait3A_149 = arith.constant 0 : i32
        %dma_wait3A_150 = tpu.memref_slice %arg7[%select_n3A_94, %dma_wait3A_149] : memref<2x128xi32, #tpu.memory_space<vmem>> -> memref<1x128xi32, #tpu.memory_space<vmem>>
        %dma_wait3A_151 = tpu.memref_squeeze %dma_wait3A_150 : memref<1x128xi32, #tpu.memory_space<vmem>> -> memref<128xi32, #tpu.memory_space<vmem>>
        %dma_wait3A_152 = arith.constant 0 : i32
        %dma_wait3A_153 = tpu.memref_slice %arg3[%add3A, %add3A_96, %dma_wait3A_152] : memref<32x79x128xi32, #tpu.memory_space<hbm>> -> memref<1x1x128xi32, #tpu.memory_space<hbm>>
        %dma_wait3A_154 = tpu.memref_squeeze %dma_wait3A_153 : memref<1x1x128xi32, #tpu.memory_space<hbm>> -> memref<128xi32, #tpu.memory_space<hbm>>
        tpu.wait_dma2 semaphore(%run_scoped3A_130 : memref<!tpu.dma_semaphore, #tpu.memory_space<semaphore_mem>>) src(%dma_wait3A_154 : memref<128xi32, #tpu.memory_space<hbm>>) dst(%dma_wait3A_151 : memref<128xi32, #tpu.memory_space<vmem>>)
        tpu.yield
      }) : () -> ()
      %ge3A = arith.constant 1 : i32
      %ge3A_97 = arith.cmpi sge, %scan3A_66, %ge3A : i32
      %convert_element_type3A = arith.extui %ge3A_97 : i1 to i32
      %cond3A = arith.constant 0 : i32
      %cond3A_98 = arith.cmpi ne, %convert_element_type3A, %cond3A : i32
      scf.if %cond3A_98 {
        %dma_wait3A_130 = arith.constant 0 : i32
        %dma_wait3A_131 = arith.constant 0 : i32
        %dma_wait3A_132 = tpu.memref_slice %arg8[%select_n3A_94, %dma_wait3A_130, %dma_wait3A_131] : memref<2x128x128xf32, #tpu.memory_space<vmem>> -> memref<1x128x128xf32, #tpu.memory_space<vmem>>
        %dma_wait3A_133 = tpu.memref_squeeze %dma_wait3A_132 : memref<1x128x128xf32, #tpu.memory_space<vmem>> -> memref<128x128xf32, #tpu.memory_space<vmem>>
        %dma_wait3A_134 = arith.constant 0 : i32
        %dma_wait3A_135 = arith.constant 0 : i32
        %dma_wait3A_136 = tpu.memref_slice %arg2[%dma_wait3A_134, %dma_wait3A_135] : memref<10240x128xf32, #tpu.memory_space<hbm>> -> memref<128x128xf32, #tpu.memory_space<hbm>>
        %dma_wait3A_137 = arith.constant 0 : i32
        %dma_wait3A_138 = arith.constant 0 : i32
        %dma_wait3A_139 = tpu.memref_slice %arg8[%select_n3A_94, %dma_wait3A_137, %dma_wait3A_138] : memref<2x128x128xf32, #tpu.memory_space<vmem>> -> memref<1x128x128xf32, #tpu.memory_space<vmem>>
        %dma_wait3A_140 = tpu.memref_squeeze %dma_wait3A_139 : memref<1x128x128xf32, #tpu.memory_space<vmem>> -> memref<128x128xf32, #tpu.memory_space<vmem>>
        %dma_wait3A_141 = arith.constant 0 : i32
        %dma_wait3A_142 = arith.constant 0 : i32
        %dma_wait3A_143 = tpu.memref_slice %arg2[%dma_wait3A_141, %dma_wait3A_142] : memref<10240x128xf32, #tpu.memory_space<hbm>> -> memref<128x128xf32, #tpu.memory_space<hbm>>
        tpu.wait_dma2 semaphore(%arg12 : memref<!tpu.dma_semaphore, #tpu.memory_space<semaphore_mem>>) src(%dma_wait3A_143 : memref<128x128xf32, #tpu.memory_space<hbm>>) dst(%dma_wait3A_140 : memref<128x128xf32, #tpu.memory_space<vmem>>)
      } else {
      }
      %dma_start3A_99 = arith.constant 0 : i32
      %dma_start3A_100 = arith.constant 0 : i32
      %dma_start3A_101 = tpu.memref_slice %arg8[%select_n3A_94, %dma_start3A_99, %dma_start3A_100] : memref<2x128x128xf32, #tpu.memory_space<vmem>> -> memref<1x128x128xf32, #tpu.memory_space<vmem>>
      %dma_start3A_102 = tpu.memref_squeeze %dma_start3A_101 : memref<1x128x128xf32, #tpu.memory_space<vmem>> -> memref<128x128xf32, #tpu.memory_space<vmem>>
      %dma_start3A_103 = arith.constant 0 : i32
      %dma_start3A_104 = tpu.memref_slice %arg7[%select_n3A_94, %dma_start3A_103] : memref<2x128xi32, #tpu.memory_space<vmem>> -> memref<1x128xi32, #tpu.memory_space<vmem>>
      %dma_start3A_105 = tpu.memref_squeeze %dma_start3A_104 : memref<1x128xi32, #tpu.memory_space<vmem>> -> memref<128xi32, #tpu.memory_space<vmem>>
      %dma_start3A_106 = arith.constant 0 : i32
      %dma_start3A_107 = arith.constant 0 : i32
      %dma_start3A_108 = tpu.memref_slice %arg2[%dma_start3A_106, %dma_start3A_107] : memref<10240x128xf32, #tpu.memory_space<hbm>> -> memref<10240x128xf32, #tpu.memory_space<hbm>>
      tpu.enqueue_indirect_dma source(%dma_start3A_108 : memref<10240x128xf32, #tpu.memory_space<hbm>>) target(%dma_start3A_102 : memref<128x128xf32, #tpu.memory_space<vmem>>) offsets(%dma_start3A_105 : memref<128xi32, #tpu.memory_space<vmem>>) semaphore(%arg11 : memref<!tpu.dma_semaphore, #tpu.memory_space<semaphore_mem>>)
      %dma_wait3A_109 = arith.constant 0 : i32
      %dma_wait3A_110 = arith.constant 0 : i32
      %dma_wait3A_111 = tpu.memref_slice %arg8[%select_n3A_76, %dma_wait3A_109, %dma_wait3A_110] : memref<2x128x128xf32, #tpu.memory_space<vmem>> -> memref<1x128x128xf32, #tpu.memory_space<vmem>>
      %dma_wait3A_112 = tpu.memref_squeeze %dma_wait3A_111 : memref<1x128x128xf32, #tpu.memory_space<vmem>> -> memref<128x128xf32, #tpu.memory_space<vmem>>
      %dma_wait3A_113 = arith.constant 0 : i32
      %dma_wait3A_114 = tpu.memref_slice %arg7[%select_n3A_76, %dma_wait3A_113] : memref<2x128xi32, #tpu.memory_space<vmem>> -> memref<1x128xi32, #tpu.memory_space<vmem>>
      %dma_wait3A_115 = tpu.memref_squeeze %dma_wait3A_114 : memref<1x128xi32, #tpu.memory_space<vmem>> -> memref<128xi32, #tpu.memory_space<vmem>>
      %dma_wait3A_116 = arith.constant 0 : i32
      %dma_wait3A_117 = arith.constant 0 : i32
      %dma_wait3A_118 = tpu.memref_slice %arg2[%dma_wait3A_116, %dma_wait3A_117] : memref<10240x128xf32, #tpu.memory_space<hbm>> -> memref<10240x128xf32, #tpu.memory_space<hbm>>
      tpu.wait_indirect_dma semaphore(%arg11 : memref<!tpu.dma_semaphore, #tpu.memory_space<semaphore_mem>>) src(%dma_wait3A_118 : memref<10240x128xf32, #tpu.memory_space<hbm>>) dst(%dma_wait3A_112 : memref<128x128xf32, #tpu.memory_space<vmem>>)
      %dma_start3A_119 = arith.constant 0 : i32
      %dma_start3A_120 = arith.constant 0 : i32
      %dma_start3A_121 = tpu.memref_slice %arg8[%select_n3A_76, %dma_start3A_119, %dma_start3A_120] : memref<2x128x128xf32, #tpu.memory_space<vmem>> -> memref<1x128x128xf32, #tpu.memory_space<vmem>>
      %dma_start3A_122 = tpu.memref_squeeze %dma_start3A_121 : memref<1x128x128xf32, #tpu.memory_space<vmem>> -> memref<128x128xf32, #tpu.memory_space<vmem>>
      %dma_start3A_123 = arith.constant 0 : i32
      %dma_start3A_124 = tpu.memref_slice %arg6[%scan3A_66, %dma_start3A_123] : memref<79x128xi32, #tpu.memory_space<vmem>> -> memref<1x128xi32, #tpu.memory_space<vmem>>
      %dma_start3A_125 = tpu.memref_squeeze %dma_start3A_124 : memref<1x128xi32, #tpu.memory_space<vmem>> -> memref<128xi32, #tpu.memory_space<vmem>>
      %dma_start3A_126 = arith.constant 0 : i32
      %dma_start3A_127 = arith.constant 0 : i32
      %dma_start3A_128 = tpu.memref_slice %arg10[%dma_start3A_126, %dma_start3A_127] : memref<10240x128xf32, #tpu.memory_space<vmem_shared>> -> memref<10240x128xf32, #tpu.memory_space<vmem_shared>>
      tpu.enqueue_indirect_dma source(%dma_start3A_122 : memref<128x128xf32, #tpu.memory_space<vmem>>) target(%dma_start3A_128 : memref<10240x128xf32, #tpu.memory_space<vmem_shared>>) offsets(%dma_start3A_125 : memref<128xi32, #tpu.memory_space<vmem>>) semaphore(%arg12 : memref<!tpu.dma_semaphore, #tpu.memory_space<semaphore_mem>>) {add = true}
      %scan3A_129 = arith.constant 0 : i32
      scf.yield %scan3A_129 : i32
    }
    %scan3A_32 = arith.constant 78 : i32
    %dma_wait3A = arith.constant 0 : i32
    %dma_wait3A_33 = arith.constant 0 : i32
    %dma_wait3A_34 = arith.constant 0 : i32
    %dma_wait3A_35 = arith.constant 0 : i32
    %dma_wait3A_36 = tpu.memref_slice %arg8[%dma_wait3A_33, %dma_wait3A_34, %dma_wait3A_35] : memref<2x128x128xf32, #tpu.memory_space<vmem>> -> memref<1x128x128xf32, #tpu.memory_space<vmem>>
    %dma_wait3A_37 = tpu.memref_squeeze %dma_wait3A_36 : memref<1x128x128xf32, #tpu.memory_space<vmem>> -> memref<128x128xf32, #tpu.memory_space<vmem>>
    %dma_wait3A_38 = arith.constant 0 : i32
    %dma_wait3A_39 = tpu.memref_slice %arg7[%dma_wait3A, %dma_wait3A_38] : memref<2x128xi32, #tpu.memory_space<vmem>> -> memref<1x128xi32, #tpu.memory_space<vmem>>
    %dma_wait3A_40 = tpu.memref_squeeze %dma_wait3A_39 : memref<1x128xi32, #tpu.memory_space<vmem>> -> memref<128xi32, #tpu.memory_space<vmem>>
    %dma_wait3A_41 = arith.constant 0 : i32
    %dma_wait3A_42 = arith.constant 0 : i32
    %dma_wait3A_43 = tpu.memref_slice %arg2[%dma_wait3A_41, %dma_wait3A_42] : memref<10240x128xf32, #tpu.memory_space<hbm>> -> memref<10240x128xf32, #tpu.memory_space<hbm>>
    tpu.wait_indirect_dma semaphore(%arg11 : memref<!tpu.dma_semaphore, #tpu.memory_space<semaphore_mem>>) src(%dma_wait3A_43 : memref<10240x128xf32, #tpu.memory_space<hbm>>) dst(%dma_wait3A_37 : memref<128x128xf32, #tpu.memory_space<vmem>>)
    %dma_wait3A_44 = arith.constant 1 : i32
    %dma_wait3A_45 = arith.constant 0 : i32
    %dma_wait3A_46 = arith.constant 0 : i32
    %dma_wait3A_47 = tpu.memref_slice %arg8[%dma_wait3A_44, %dma_wait3A_45, %dma_wait3A_46] : memref<2x128x128xf32, #tpu.memory_space<vmem>> -> memref<1x128x128xf32, #tpu.memory_space<vmem>>
    %dma_wait3A_48 = tpu.memref_squeeze %dma_wait3A_47 : memref<1x128x128xf32, #tpu.memory_space<vmem>> -> memref<128x128xf32, #tpu.memory_space<vmem>>
    %dma_wait3A_49 = arith.constant 0 : i32
    %dma_wait3A_50 = arith.constant 0 : i32
    %dma_wait3A_51 = tpu.memref_slice %arg2[%dma_wait3A_49, %dma_wait3A_50] : memref<10240x128xf32, #tpu.memory_space<hbm>> -> memref<128x128xf32, #tpu.memory_space<hbm>>
    %dma_wait3A_52 = arith.constant 0 : i32
    %dma_wait3A_53 = arith.constant 0 : i32
    %dma_wait3A_54 = tpu.memref_slice %arg8[%dma_wait3A_44, %dma_wait3A_52, %dma_wait3A_53] : memref<2x128x128xf32, #tpu.memory_space<vmem>> -> memref<1x128x128xf32, #tpu.memory_space<vmem>>
    %dma_wait3A_55 = tpu.memref_squeeze %dma_wait3A_54 : memref<1x128x128xf32, #tpu.memory_space<vmem>> -> memref<128x128xf32, #tpu.memory_space<vmem>>
    %dma_wait3A_56 = arith.constant 0 : i32
    %dma_wait3A_57 = arith.constant 0 : i32
    %dma_wait3A_58 = tpu.memref_slice %arg2[%dma_wait3A_56, %dma_wait3A_57] : memref<10240x128xf32, #tpu.memory_space<hbm>> -> memref<128x128xf32, #tpu.memory_space<hbm>>
    tpu.wait_dma2 semaphore(%arg12 : memref<!tpu.dma_semaphore, #tpu.memory_space<semaphore_mem>>) src(%dma_wait3A_58 : memref<128x128xf32, #tpu.memory_space<hbm>>) dst(%dma_wait3A_55 : memref<128x128xf32, #tpu.memory_space<vmem>>)
    %run_scoped3A_59 = arith.constant 0 : i32
    %run_scoped3A_60 = arith.constant 78 : i32
    "tpu.region"() ({
      %run_scoped3A_66 = tpu.sem_alloc : memref<!tpu.dma_semaphore, #tpu.memory_space<semaphore_mem>>
      %dma_start3A_67 = arith.constant 0 : i32
      %dma_start3A_68 = arith.constant 0 : i32
      %dma_start3A_69 = tpu.memref_slice %arg8[%run_scoped3A_59, %dma_start3A_67, %dma_start3A_68] : memref<2x128x128xf32, #tpu.memory_space<vmem>> -> memref<1x128x128xf32, #tpu.memory_space<vmem>>
      %dma_start3A_70 = tpu.memref_squeeze %dma_start3A_69 : memref<1x128x128xf32, #tpu.memory_space<vmem>> -> memref<128x128xf32, #tpu.memory_space<vmem>>
      %dma_start3A_71 = arith.constant 0 : i32
      %dma_start3A_72 = tpu.memref_slice %arg6[%run_scoped3A_60, %dma_start3A_71] : memref<79x128xi32, #tpu.memory_space<vmem>> -> memref<1x128xi32, #tpu.memory_space<vmem>>
      %dma_start3A_73 = tpu.memref_squeeze %dma_start3A_72 : memref<1x128xi32, #tpu.memory_space<vmem>> -> memref<128xi32, #tpu.memory_space<vmem>>
      %dma_start3A_74 = arith.constant 0 : i32
      %dma_start3A_75 = arith.constant 0 : i32
      %dma_start3A_76 = tpu.memref_slice %arg10[%dma_start3A_74, %dma_start3A_75] : memref<10240x128xf32, #tpu.memory_space<vmem_shared>> -> memref<10240x128xf32, #tpu.memory_space<vmem_shared>>
      tpu.enqueue_indirect_dma source(%dma_start3A_70 : memref<128x128xf32, #tpu.memory_space<vmem>>) target(%dma_start3A_76 : memref<10240x128xf32, #tpu.memory_space<vmem_shared>>) offsets(%dma_start3A_73 : memref<128xi32, #tpu.memory_space<vmem>>) semaphore(%run_scoped3A_66 : memref<!tpu.dma_semaphore, #tpu.memory_space<semaphore_mem>>) {add = true}
      %dma_wait3A_77 = arith.constant 0 : i32
      %dma_wait3A_78 = arith.constant 0 : i32
      %dma_wait3A_79 = tpu.memref_slice %arg8[%run_scoped3A_59, %dma_wait3A_77, %dma_wait3A_78] : memref<2x128x128xf32, #tpu.memory_space<vmem>> -> memref<1x128x128xf32, #tpu.memory_space<vmem>>
      %dma_wait3A_80 = tpu.memref_squeeze %dma_wait3A_79 : memref<1x128x128xf32, #tpu.memory_space<vmem>> -> memref<128x128xf32, #tpu.memory_space<vmem>>
      %dma_wait3A_81 = arith.constant 0 : i32
      %dma_wait3A_82 = tpu.memref_slice %arg6[%run_scoped3A_60, %dma_wait3A_81] : memref<79x128xi32, #tpu.memory_space<vmem>> -> memref<1x128xi32, #tpu.memory_space<vmem>>
      %dma_wait3A_83 = tpu.memref_squeeze %dma_wait3A_82 : memref<1x128xi32, #tpu.memory_space<vmem>> -> memref<128xi32, #tpu.memory_space<vmem>>
      %dma_wait3A_84 = arith.constant 0 : i32
      %dma_wait3A_85 = arith.constant 0 : i32
      %dma_wait3A_86 = tpu.memref_slice %arg10[%dma_wait3A_84, %dma_wait3A_85] : memref<10240x128xf32, #tpu.memory_space<vmem_shared>> -> memref<10240x128xf32, #tpu.memory_space<vmem_shared>>
      tpu.wait_indirect_dma semaphore(%run_scoped3A_66 : memref<!tpu.dma_semaphore, #tpu.memory_space<semaphore_mem>>) src(%dma_wait3A_80 : memref<128x128xf32, #tpu.memory_space<vmem>>) dst(%dma_wait3A_86 : memref<10240x128xf32, #tpu.memory_space<vmem_shared>>)
      tpu.yield
    }) : () -> ()
    %barrier3A_61 = arith.constant 0 : index
    tpu.barrier barrier_id(%barrier3A_61)
    %mul3A_62 = arith.constant 640 : i32
    %mul3A_63 = arith.muli %arg1, %mul3A_62 : i32
    %mul3A_64 = arith.constant 640 : i32
    %mul3A_65 = arith.muli %arg1, %mul3A_64 : i32
    "tpu.region"() ({
      %run_scoped3A_66 = tpu.sem_alloc : memref<!tpu.dma_semaphore, #tpu.memory_space<semaphore_mem>>
      %dma_start3A_67 = arith.constant 0 : i32
      %dma_start3A_68 = tpu.memref_slice %arg5[%arg0, %mul3A_65, %dma_start3A_67] : memref<2x10240x128xf32, #tpu.memory_space<hbm>> -> memref<1x640x128xf32, #tpu.memory_space<hbm>>
      %dma_start3A_69 = tpu.memref_squeeze %dma_start3A_68 : memref<1x640x128xf32, #tpu.memory_space<hbm>> -> memref<640x128xf32, #tpu.memory_space<hbm>>
      %dma_start3A_70 = arith.constant 0 : i32
      %dma_start3A_71 = tpu.memref_slice %arg10[%mul3A_63, %dma_start3A_70] : memref<10240x128xf32, #tpu.memory_space<vmem_shared>> -> memref<640x128xf32, #tpu.memory_space<vmem_shared>>
      tpu.enqueue_dma source(%dma_start3A_71 : memref<640x128xf32, #tpu.memory_space<vmem_shared>>) target(%dma_start3A_69 : memref<640x128xf32, #tpu.memory_space<hbm>>) target_semaphore(%run_scoped3A_66 : memref<!tpu.dma_semaphore, #tpu.memory_space<semaphore_mem>>)
      %dma_wait3A_72 = arith.constant 0 : i32
      %dma_wait3A_73 = tpu.memref_slice %arg5[%arg0, %mul3A_65, %dma_wait3A_72] : memref<2x10240x128xf32, #tpu.memory_space<hbm>> -> memref<1x640x128xf32, #tpu.memory_space<hbm>>
      %dma_wait3A_74 = tpu.memref_squeeze %dma_wait3A_73 : memref<1x640x128xf32, #tpu.memory_space<hbm>> -> memref<640x128xf32, #tpu.memory_space<hbm>>
      %dma_wait3A_75 = arith.constant 0 : i32
      %dma_wait3A_76 = tpu.memref_slice %arg10[%mul3A_63, %dma_wait3A_75] : memref<10240x128xf32, #tpu.memory_space<vmem_shared>> -> memref<640x128xf32, #tpu.memory_space<vmem_shared>>
      tpu.wait_dma2 semaphore(%run_scoped3A_66 : memref<!tpu.dma_semaphore, #tpu.memory_space<semaphore_mem>>) src(%dma_wait3A_76 : memref<640x128xf32, #tpu.memory_space<vmem_shared>>) dst(%dma_wait3A_74 : memref<640x128xf32, #tpu.memory_space<hbm>>)
      tpu.yield
    }) : () -> ()
    return
  }
}

#map = affine_map<(d0, d1) -> (0, 0)>
#map1 = affine_map<(d0, d1) -> (0, 0, 0)>
module attributes {stable_mosaic.version = 14 : i64} {
  func.func @_sc_agg(%arg0: i32, %arg1: i32, %arg2: memref<10240x128xf32, #tpu.memory_space<hbm>>, %arg3: memref<32x79x128xi32, #tpu.memory_space<hbm>>, %arg4: memref<32x79x128xi32, #tpu.memory_space<hbm>>, %arg5: memref<2x10240x128xf32, #tpu.memory_space<hbm>>, %arg6: memref<79x128xi32, #tpu.memory_space<vmem>>, %arg7: memref<2x128xi32, #tpu.memory_space<vmem>>, %arg8: memref<2x128x128xf32, #tpu.memory_space<vmem>>, %arg9: memref<16x128xf32, #tpu.memory_space<vmem>>, %arg10: memref<10240x128xf32, #tpu.memory_space<vmem_shared>>, %arg11: memref<!tpu.dma_semaphore, #tpu.memory_space<semaphore_mem>>, %arg12: memref<!tpu.dma_semaphore, #tpu.memory_space<semaphore_mem>>) attributes {dimension_semantics = [#tpu.dimension_semantics<core_parallel>, #tpu.dimension_semantics<subcore_parallel>], iteration_bounds = array<i64: 2, 16>, scalar_prefetch = 0 : i64, scratch_operands = 7 : i64, tpu.core_type = #tpu.core_type<sc_vector_subcore>, window_params = [{transform_indices = #map}, {transform_indices = #map1}, {transform_indices = #map1}, {transform_indices = #map1}]} {
    %mul3A = arith.constant 2 : i32
    %mul3A_0 = arith.muli %arg1, %mul3A : i32
    %add3A = arith.addi %mul3A_0, %arg0 : i32
    %scan3A = arith.constant 0 : i32
    %scan3A_1 = arith.constant 0 : i32
    %scan3A_2 = arith.constant 128 : i32
    %scan3A_3 = arith.addi %scan3A_1, %scan3A_2 : i32
    %scan3A_4 = arith.constant 1 : i32
    %scan3A_5 = scf.for %scan3A_66 = %scan3A_1 to %scan3A_3 step %scan3A_4 iter_args(%scan3A_67 = %scan3A) -> (i32)  : i32 {
      %broadcast_in_dim3A = arith.constant 0.000000e+00 : f32
      %broadcast_in_dim3A_68 = vector.broadcast %broadcast_in_dim3A : f32 to vector<16xf32>
      %jit3A = arith.constant 8 : i32
      %div3A = arith.divsi %scan3A_66, %jit3A : i32
      %sign3A = arith.constant 0 : i32
      %sign3A_69 = arith.cmpi sgt, %scan3A_66, %sign3A : i32
      %sign3A_70 = arith.extui %sign3A_69 : i1 to i32
      %sign3A_71 = arith.constant 0 : i32
      %sign3A_72 = arith.cmpi slt, %scan3A_66, %sign3A_71 : i32
      %sign3A_73 = arith.extui %sign3A_72 : i1 to i32
      %sign3A_74 = arith.subi %sign3A_70, %sign3A_73 : i32
      %sign3A_75 = arith.constant 0 : i32
      %sign3A_76 = arith.cmpi sgt, %jit3A, %sign3A_75 : i32
      %sign3A_77 = arith.extui %sign3A_76 : i1 to i32
      %sign3A_78 = arith.constant 0 : i32
      %sign3A_79 = arith.cmpi slt, %jit3A, %sign3A_78 : i32
      %sign3A_80 = arith.extui %sign3A_79 : i1 to i32
      %sign3A_81 = arith.subi %sign3A_77, %sign3A_80 : i32
      %ne3A = arith.cmpi ne, %sign3A_74, %sign3A_81 : i32
      %rem3A = arith.remsi %scan3A_66, %jit3A : i32
      %ne3A_82 = arith.constant 0 : i32
      %ne3A_83 = arith.cmpi ne, %rem3A, %ne3A_82 : i32
      %and3A = arith.andi %ne3A, %ne3A_83 : i1
      %sub3A = arith.constant 1 : i32
      %sub3A_84 = arith.subi %div3A, %sub3A : i32
      %select_n3A = arith.select %and3A, %sub3A_84, %div3A : i32
      %jit3A_85 = arith.constant 8 : i32
      %eq3A = arith.constant 0 : i32
      %eq3A_86 = arith.cmpi eq, %jit3A_85, %eq3A : i32
      %jit3A_87 = arith.constant 1 : i32
      %select_n3A_88 = arith.select %eq3A_86, %jit3A_87, %jit3A_85 : i32
      %rem3A_89 = arith.remsi %scan3A_66, %select_n3A_88 : i32
      %ne3A_90 = arith.constant 0 : i32
      %ne3A_91 = arith.cmpi ne, %rem3A_89, %ne3A_90 : i32
      %lt3A = arith.constant 0 : i32
      %lt3A_92 = arith.cmpi slt, %rem3A_89, %lt3A : i32
      %lt3A_93 = arith.constant 0 : i32
      %lt3A_94 = arith.cmpi slt, %select_n3A_88, %lt3A_93 : i32
      %ne3A_95 = arith.xori %lt3A_92, %lt3A_94 : i1
      %and3A_96 = arith.andi %ne3A_95, %ne3A_91 : i1
      %add3A_97 = arith.addi %rem3A_89, %select_n3A_88 : i32
      %select_n3A_98 = arith.select %and3A_96, %add3A_97, %rem3A_89 : i32
      %mul3A_99 = arith.constant 16 : i32
      %mul3A_100 = arith.muli %select_n3A_98, %mul3A_99 : i32
      %swap3A = arith.index_cast %select_n3A : i32 to index
      %swap3A_101 = arith.index_cast %mul3A_100 : i32 to index
      %swap3A_102 = tpu.vector_load %arg9[%swap3A, %swap3A_101] {strides = array<i32>} : memref<16x128xf32, #tpu.memory_space<vmem>>, vector<1x16xf32>,
      %swap3A_103 = vector.shape_cast %swap3A_102 : vector<1x16xf32> to vector<16xf32>
      %swap3A_104 = vector.shape_cast %broadcast_in_dim3A_68 : vector<16xf32> to vector<1x16xf32>
      tpu.vector_store %arg9[%swap3A, %swap3A_101], %swap3A_104 {strides = array<i32>} : memref<16x128xf32, #tpu.memory_space<vmem>>, vector<1x16xf32>,
      %scan3A_105 = arith.constant 0 : i32
      scf.yield %scan3A_105 : i32
    }
    %scan3A_6 = arith.constant 128 : i32
    %scan3A_7 = arith.constant 0 : i32
    %scan3A_8 = arith.constant 0 : i32
    %scan3A_9 = arith.constant 40 : i32
    %scan3A_10 = arith.addi %scan3A_8, %scan3A_9 : i32
    %scan3A_11 = arith.constant 1 : i32
    %scan3A_12 = scf.for %scan3A_66 = %scan3A_8 to %scan3A_10 step %scan3A_11 iter_args(%scan3A_67 = %scan3A_7) -> (i32)  : i32 {
      %mul3A_68 = arith.constant 640 : i32
      %mul3A_69 = arith.muli %arg1, %mul3A_68 : i32
      %mul3A_70 = arith.constant 16 : i32
      %mul3A_71 = arith.muli %scan3A_66, %mul3A_70 : i32
      %add3A_72 = arith.addi %mul3A_69, %mul3A_71 : i32
      "tpu.region"() ({
        %run_scoped3A_74 = tpu.sem_alloc : memref<!tpu.dma_semaphore, #tpu.memory_space<semaphore_mem>>
        %dma_start3A_75 = arith.constant 0 : i32
        %dma_start3A_76 = tpu.memref_slice %arg10[%add3A_72, %dma_start3A_75] : memref<10240x128xf32, #tpu.memory_space<vmem_shared>> -> memref<16x128xf32, #tpu.memory_space<vmem_shared>>
        %dma_start3A_77 = arith.constant 0 : i32
        %dma_start3A_78 = tpu.memref_slice %arg10[%add3A_72, %dma_start3A_77] : memref<10240x128xf32, #tpu.memory_space<vmem_shared>> -> memref<16x128xf32, #tpu.memory_space<vmem_shared>>
        tpu.enqueue_dma source(%arg9 : memref<16x128xf32, #tpu.memory_space<vmem>>) target(%dma_start3A_78 : memref<16x128xf32, #tpu.memory_space<vmem_shared>>) target_semaphore(%run_scoped3A_74 : memref<!tpu.dma_semaphore, #tpu.memory_space<semaphore_mem>>)
        %dma_wait3A_79 = arith.constant 0 : i32
        %dma_wait3A_80 = tpu.memref_slice %arg10[%add3A_72, %dma_wait3A_79] : memref<10240x128xf32, #tpu.memory_space<vmem_shared>> -> memref<16x128xf32, #tpu.memory_space<vmem_shared>>
        %dma_wait3A_81 = arith.constant 0 : i32
        %dma_wait3A_82 = tpu.memref_slice %arg10[%add3A_72, %dma_wait3A_81] : memref<10240x128xf32, #tpu.memory_space<vmem_shared>> -> memref<16x128xf32, #tpu.memory_space<vmem_shared>>
        tpu.wait_dma2 semaphore(%run_scoped3A_74 : memref<!tpu.dma_semaphore, #tpu.memory_space<semaphore_mem>>) src(%arg9 : memref<16x128xf32, #tpu.memory_space<vmem>>) dst(%dma_wait3A_82 : memref<16x128xf32, #tpu.memory_space<vmem_shared>>)
        tpu.yield
      }) : () -> ()
      %scan3A_73 = arith.constant 0 : i32
      scf.yield %scan3A_73 : i32
    }
    %scan3A_13 = arith.constant 40 : i32
    "tpu.region"() ({
      %run_scoped3A_66 = tpu.sem_alloc : memref<!tpu.dma_semaphore, #tpu.memory_space<semaphore_mem>>
      %dma_start3A_67 = arith.constant 0 : i32
      %dma_start3A_68 = arith.constant 0 : i32
      %dma_start3A_69 = tpu.memref_slice %arg4[%add3A, %dma_start3A_67, %dma_start3A_68] : memref<32x79x128xi32, #tpu.memory_space<hbm>> -> memref<1x79x128xi32, #tpu.memory_space<hbm>>
      %dma_start3A_70 = tpu.memref_squeeze %dma_start3A_69 : memref<1x79x128xi32, #tpu.memory_space<hbm>> -> memref<79x128xi32, #tpu.memory_space<hbm>>
      %dma_start3A_71 = arith.constant 0 : i32
      %dma_start3A_72 = arith.constant 0 : i32
      %dma_start3A_73 = tpu.memref_slice %arg4[%add3A, %dma_start3A_71, %dma_start3A_72] : memref<32x79x128xi32, #tpu.memory_space<hbm>> -> memref<1x79x128xi32, #tpu.memory_space<hbm>>
      %dma_start3A_74 = tpu.memref_squeeze %dma_start3A_73 : memref<1x79x128xi32, #tpu.memory_space<hbm>> -> memref<79x128xi32, #tpu.memory_space<hbm>>
      tpu.enqueue_dma source(%dma_start3A_74 : memref<79x128xi32, #tpu.memory_space<hbm>>) target(%arg6 : memref<79x128xi32, #tpu.memory_space<vmem>>) target_semaphore(%run_scoped3A_66 : memref<!tpu.dma_semaphore, #tpu.memory_space<semaphore_mem>>)
      %dma_wait3A_75 = arith.constant 0 : i32
      %dma_wait3A_76 = arith.constant 0 : i32
      %dma_wait3A_77 = tpu.memref_slice %arg4[%add3A, %dma_wait3A_75, %dma_wait3A_76] : memref<32x79x128xi32, #tpu.memory_space<hbm>> -> memref<1x79x128xi32, #tpu.memory_space<hbm>>
      %dma_wait3A_78 = tpu.memref_squeeze %dma_wait3A_77 : memref<1x79x128xi32, #tpu.memory_space<hbm>> -> memref<79x128xi32, #tpu.memory_space<hbm>>
      %dma_wait3A_79 = arith.constant 0 : i32
      %dma_wait3A_80 = arith.constant 0 : i32
      %dma_wait3A_81 = tpu.memref_slice %arg4[%add3A, %dma_wait3A_79, %dma_wait3A_80] : memref<32x79x128xi32, #tpu.memory_space<hbm>> -> memref<1x79x128xi32, #tpu.memory_space<hbm>>
      %dma_wait3A_82 = tpu.memref_squeeze %dma_wait3A_81 : memref<1x79x128xi32, #tpu.memory_space<hbm>> -> memref<79x128xi32, #tpu.memory_space<hbm>>
      tpu.wait_dma2 semaphore(%run_scoped3A_66 : memref<!tpu.dma_semaphore, #tpu.memory_space<semaphore_mem>>) src(%dma_wait3A_82 : memref<79x128xi32, #tpu.memory_space<hbm>>) dst(%arg6 : memref<79x128xi32, #tpu.memory_space<vmem>>)
      tpu.yield
    }) : () -> ()
    %barrier3A = arith.constant 0 : index
    tpu.barrier barrier_id(%barrier3A)
    %run_scoped3A = arith.constant 0 : i32
    %run_scoped3A_14 = arith.constant 0 : i32
    "tpu.region"() ({
      %run_scoped3A_66 = tpu.sem_alloc : memref<!tpu.dma_semaphore, #tpu.memory_space<semaphore_mem>>
      %dma_start3A_67 = arith.constant 0 : i32
      %dma_start3A_68 = tpu.memref_slice %arg7[%run_scoped3A_14, %dma_start3A_67] : memref<2x128xi32, #tpu.memory_space<vmem>> -> memref<1x128xi32, #tpu.memory_space<vmem>>
      %dma_start3A_69 = tpu.memref_squeeze %dma_start3A_68 : memref<1x128xi32, #tpu.memory_space<vmem>> -> memref<128xi32, #tpu.memory_space<vmem>>
      %dma_start3A_70 = arith.constant 0 : i32
      %dma_start3A_71 = tpu.memref_slice %arg3[%add3A, %run_scoped3A, %dma_start3A_70] : memref<32x79x128xi32, #tpu.memory_space<hbm>> -> memref<1x1x128xi32, #tpu.memory_space<hbm>>
      %dma_start3A_72 = tpu.memref_squeeze %dma_start3A_71 : memref<1x1x128xi32, #tpu.memory_space<hbm>> -> memref<128xi32, #tpu.memory_space<hbm>>
      %dma_start3A_73 = arith.constant 0 : i32
      %dma_start3A_74 = tpu.memref_slice %arg7[%run_scoped3A_14, %dma_start3A_73] : memref<2x128xi32, #tpu.memory_space<vmem>> -> memref<1x128xi32, #tpu.memory_space<vmem>>
      %dma_start3A_75 = tpu.memref_squeeze %dma_start3A_74 : memref<1x128xi32, #tpu.memory_space<vmem>> -> memref<128xi32, #tpu.memory_space<vmem>>
      %dma_start3A_76 = arith.constant 0 : i32
      %dma_start3A_77 = tpu.memref_slice %arg3[%add3A, %run_scoped3A, %dma_start3A_76] : memref<32x79x128xi32, #tpu.memory_space<hbm>> -> memref<1x1x128xi32, #tpu.memory_space<hbm>>
      %dma_start3A_78 = tpu.memref_squeeze %dma_start3A_77 : memref<1x1x128xi32, #tpu.memory_space<hbm>> -> memref<128xi32, #tpu.memory_space<hbm>>
      tpu.enqueue_dma source(%dma_start3A_78 : memref<128xi32, #tpu.memory_space<hbm>>) target(%dma_start3A_75 : memref<128xi32, #tpu.memory_space<vmem>>) target_semaphore(%run_scoped3A_66 : memref<!tpu.dma_semaphore, #tpu.memory_space<semaphore_mem>>)
      %dma_wait3A_79 = arith.constant 0 : i32
      %dma_wait3A_80 = tpu.memref_slice %arg7[%run_scoped3A_14, %dma_wait3A_79] : memref<2x128xi32, #tpu.memory_space<vmem>> -> memref<1x128xi32, #tpu.memory_space<vmem>>
      %dma_wait3A_81 = tpu.memref_squeeze %dma_wait3A_80 : memref<1x128xi32, #tpu.memory_space<vmem>> -> memref<128xi32, #tpu.memory_space<vmem>>
      %dma_wait3A_82 = arith.constant 0 : i32
      %dma_wait3A_83 = tpu.memref_slice %arg3[%add3A, %run_scoped3A, %dma_wait3A_82] : memref<32x79x128xi32, #tpu.memory_space<hbm>> -> memref<1x1x128xi32, #tpu.memory_space<hbm>>
      %dma_wait3A_84 = tpu.memref_squeeze %dma_wait3A_83 : memref<1x1x128xi32, #tpu.memory_space<hbm>> -> memref<128xi32, #tpu.memory_space<hbm>>
      %dma_wait3A_85 = arith.constant 0 : i32
      %dma_wait3A_86 = tpu.memref_slice %arg7[%run_scoped3A_14, %dma_wait3A_85] : memref<2x128xi32, #tpu.memory_space<vmem>> -> memref<1x128xi32, #tpu.memory_space<vmem>>
      %dma_wait3A_87 = tpu.memref_squeeze %dma_wait3A_86 : memref<1x128xi32, #tpu.memory_space<vmem>> -> memref<128xi32, #tpu.memory_space<vmem>>
      %dma_wait3A_88 = arith.constant 0 : i32
      %dma_wait3A_89 = tpu.memref_slice %arg3[%add3A, %run_scoped3A, %dma_wait3A_88] : memref<32x79x128xi32, #tpu.memory_space<hbm>> -> memref<1x1x128xi32, #tpu.memory_space<hbm>>
      %dma_wait3A_90 = tpu.memref_squeeze %dma_wait3A_89 : memref<1x1x128xi32, #tpu.memory_space<hbm>> -> memref<128xi32, #tpu.memory_space<hbm>>
      tpu.wait_dma2 semaphore(%run_scoped3A_66 : memref<!tpu.dma_semaphore, #tpu.memory_space<semaphore_mem>>) src(%dma_wait3A_90 : memref<128xi32, #tpu.memory_space<hbm>>) dst(%dma_wait3A_87 : memref<128xi32, #tpu.memory_space<vmem>>)
      tpu.yield
    }) : () -> ()
    %dma_start3A = arith.constant 0 : i32
    %dma_start3A_15 = arith.constant 0 : i32
    %dma_start3A_16 = arith.constant 0 : i32
    %dma_start3A_17 = arith.constant 0 : i32
    %dma_start3A_18 = tpu.memref_slice %arg8[%dma_start3A_15, %dma_start3A_16, %dma_start3A_17] : memref<2x128x128xf32, #tpu.memory_space<vmem>> -> memref<1x128x128xf32, #tpu.memory_space<vmem>>
    %dma_start3A_19 = tpu.memref_squeeze %dma_start3A_18 : memref<1x128x128xf32, #tpu.memory_space<vmem>> -> memref<128x128xf32, #tpu.memory_space<vmem>>
    %dma_start3A_20 = arith.constant 0 : i32
    %dma_start3A_21 = tpu.memref_slice %arg7[%dma_start3A, %dma_start3A_20] : memref<2x128xi32, #tpu.memory_space<vmem>> -> memref<1x128xi32, #tpu.memory_space<vmem>>
    %dma_start3A_22 = tpu.memref_squeeze %dma_start3A_21 : memref<1x128xi32, #tpu.memory_space<vmem>> -> memref<128xi32, #tpu.memory_space<vmem>>
    %dma_start3A_23 = arith.constant 0 : i32
    %dma_start3A_24 = arith.constant 0 : i32
    %dma_start3A_25 = tpu.memref_slice %arg2[%dma_start3A_23, %dma_start3A_24] : memref<10240x128xf32, #tpu.memory_space<hbm>> -> memref<10240x128xf32, #tpu.memory_space<hbm>>
    tpu.enqueue_indirect_dma source(%dma_start3A_25 : memref<10240x128xf32, #tpu.memory_space<hbm>>) target(%dma_start3A_19 : memref<128x128xf32, #tpu.memory_space<vmem>>) offsets(%dma_start3A_22 : memref<128xi32, #tpu.memory_space<vmem>>) semaphore(%arg11 : memref<!tpu.dma_semaphore, #tpu.memory_space<semaphore_mem>>)
    %scan3A_26 = arith.constant 0 : i32
    %scan3A_27 = arith.constant 0 : i32
    %scan3A_28 = arith.constant 78 : i32
    %scan3A_29 = arith.addi %scan3A_27, %scan3A_28 : i32
    %scan3A_30 = arith.constant 1 : i32
    %scan3A_31 = scf.for %scan3A_66 = %scan3A_27 to %scan3A_29 step %scan3A_30 iter_args(%scan3A_67 = %scan3A_26) -> (i32)  : i32 {
      %jit3A = arith.constant 2 : i32
      %eq3A = arith.constant 0 : i32
      %eq3A_68 = arith.cmpi eq, %jit3A, %eq3A : i32
      %jit3A_69 = arith.constant 1 : i32
      %select_n3A = arith.select %eq3A_68, %jit3A_69, %jit3A : i32
      %rem3A = arith.remsi %scan3A_66, %select_n3A : i32
      %ne3A = arith.constant 0 : i32
      %ne3A_70 = arith.cmpi ne, %rem3A, %ne3A : i32
      %lt3A = arith.constant 0 : i32
      %lt3A_71 = arith.cmpi slt, %rem3A, %lt3A : i32
      %lt3A_72 = arith.constant 0 : i32
      %lt3A_73 = arith.cmpi slt, %select_n3A, %lt3A_72 : i32
      %ne3A_74 = arith.xori %lt3A_71, %lt3A_73 : i1
      %and3A = arith.andi %ne3A_74, %ne3A_70 : i1
      %add3A_75 = arith.addi %rem3A, %select_n3A : i32
      %select_n3A_76 = arith.select %and3A, %add3A_75, %rem3A : i32
      %add3A_77 = arith.constant 1 : i32
      %add3A_78 = arith.addi %scan3A_66, %add3A_77 : i32
      %jit3A_79 = arith.constant 2 : i32
      %eq3A_80 = arith.constant 0 : i32
      %eq3A_81 = arith.cmpi eq, %jit3A_79, %eq3A_80 : i32
      %jit3A_82 = arith.constant 1 : i32
      %select_n3A_83 = arith.select %eq3A_81, %jit3A_82, %jit3A_79 : i32
      %rem3A_84 = arith.remsi %add3A_78, %select_n3A_83 : i32
      %ne3A_85 = arith.constant 0 : i32
      %ne3A_86 = arith.cmpi ne, %rem3A_84, %ne3A_85 : i32
      %lt3A_87 = arith.constant 0 : i32
      %lt3A_88 = arith.cmpi slt, %rem3A_84, %lt3A_87 : i32
      %lt3A_89 = arith.constant 0 : i32
      %lt3A_90 = arith.cmpi slt, %select_n3A_83, %lt3A_89 : i32
      %ne3A_91 = arith.xori %lt3A_88, %lt3A_90 : i1
      %and3A_92 = arith.andi %ne3A_91, %ne3A_86 : i1
      %add3A_93 = arith.addi %rem3A_84, %select_n3A_83 : i32
      %select_n3A_94 = arith.select %and3A_92, %add3A_93, %rem3A_84 : i32
      %add3A_95 = arith.constant 1 : i32
      %add3A_96 = arith.addi %scan3A_66, %add3A_95 : i32
      "tpu.region"() ({
        %run_scoped3A_130 = tpu.sem_alloc : memref<!tpu.dma_semaphore, #tpu.memory_space<semaphore_mem>>
        %dma_start3A_131 = arith.constant 0 : i32
        %dma_start3A_132 = tpu.memref_slice %arg7[%select_n3A_94, %dma_start3A_131] : memref<2x128xi32, #tpu.memory_space<vmem>> -> memref<1x128xi32, #tpu.memory_space<vmem>>
        %dma_start3A_133 = tpu.memref_squeeze %dma_start3A_132 : memref<1x128xi32, #tpu.memory_space<vmem>> -> memref<128xi32, #tpu.memory_space<vmem>>
        %dma_start3A_134 = arith.constant 0 : i32
        %dma_start3A_135 = tpu.memref_slice %arg3[%add3A, %add3A_96, %dma_start3A_134] : memref<32x79x128xi32, #tpu.memory_space<hbm>> -> memref<1x1x128xi32, #tpu.memory_space<hbm>>
        %dma_start3A_136 = tpu.memref_squeeze %dma_start3A_135 : memref<1x1x128xi32, #tpu.memory_space<hbm>> -> memref<128xi32, #tpu.memory_space<hbm>>
        %dma_start3A_137 = arith.constant 0 : i32
        %dma_start3A_138 = tpu.memref_slice %arg7[%select_n3A_94, %dma_start3A_137] : memref<2x128xi32, #tpu.memory_space<vmem>> -> memref<1x128xi32, #tpu.memory_space<vmem>>
        %dma_start3A_139 = tpu.memref_squeeze %dma_start3A_138 : memref<1x128xi32, #tpu.memory_space<vmem>> -> memref<128xi32, #tpu.memory_space<vmem>>
        %dma_start3A_140 = arith.constant 0 : i32
        %dma_start3A_141 = tpu.memref_slice %arg3[%add3A, %add3A_96, %dma_start3A_140] : memref<32x79x128xi32, #tpu.memory_space<hbm>> -> memref<1x1x128xi32, #tpu.memory_space<hbm>>
        %dma_start3A_142 = tpu.memref_squeeze %dma_start3A_141 : memref<1x1x128xi32, #tpu.memory_space<hbm>> -> memref<128xi32, #tpu.memory_space<hbm>>
        tpu.enqueue_dma source(%dma_start3A_142 : memref<128xi32, #tpu.memory_space<hbm>>) target(%dma_start3A_139 : memref<128xi32, #tpu.memory_space<vmem>>) target_semaphore(%run_scoped3A_130 : memref<!tpu.dma_semaphore, #tpu.memory_space<semaphore_mem>>)
        %dma_wait3A_143 = arith.constant 0 : i32
        %dma_wait3A_144 = tpu.memref_slice %arg7[%select_n3A_94, %dma_wait3A_143] : memref<2x128xi32, #tpu.memory_space<vmem>> -> memref<1x128xi32, #tpu.memory_space<vmem>>
        %dma_wait3A_145 = tpu.memref_squeeze %dma_wait3A_144 : memref<1x128xi32, #tpu.memory_space<vmem>> -> memref<128xi32, #tpu.memory_space<vmem>>
        %dma_wait3A_146 = arith.constant 0 : i32
        %dma_wait3A_147 = tpu.memref_slice %arg3[%add3A, %add3A_96, %dma_wait3A_146] : memref<32x79x128xi32, #tpu.memory_space<hbm>> -> memref<1x1x128xi32, #tpu.memory_space<hbm>>
        %dma_wait3A_148 = tpu.memref_squeeze %dma_wait3A_147 : memref<1x1x128xi32, #tpu.memory_space<hbm>> -> memref<128xi32, #tpu.memory_space<hbm>>
        %dma_wait3A_149 = arith.constant 0 : i32
        %dma_wait3A_150 = tpu.memref_slice %arg7[%select_n3A_94, %dma_wait3A_149] : memref<2x128xi32, #tpu.memory_space<vmem>> -> memref<1x128xi32, #tpu.memory_space<vmem>>
        %dma_wait3A_151 = tpu.memref_squeeze %dma_wait3A_150 : memref<1x128xi32, #tpu.memory_space<vmem>> -> memref<128xi32, #tpu.memory_space<vmem>>
        %dma_wait3A_152 = arith.constant 0 : i32
        %dma_wait3A_153 = tpu.memref_slice %arg3[%add3A, %add3A_96, %dma_wait3A_152] : memref<32x79x128xi32, #tpu.memory_space<hbm>> -> memref<1x1x128xi32, #tpu.memory_space<hbm>>
        %dma_wait3A_154 = tpu.memref_squeeze %dma_wait3A_153 : memref<1x1x128xi32, #tpu.memory_space<hbm>> -> memref<128xi32, #tpu.memory_space<hbm>>
        tpu.wait_dma2 semaphore(%run_scoped3A_130 : memref<!tpu.dma_semaphore, #tpu.memory_space<semaphore_mem>>) src(%dma_wait3A_154 : memref<128xi32, #tpu.memory_space<hbm>>) dst(%dma_wait3A_151 : memref<128xi32, #tpu.memory_space<vmem>>)
        tpu.yield
      }) : () -> ()
      %ge3A = arith.constant 1 : i32
      %ge3A_97 = arith.cmpi sge, %scan3A_66, %ge3A : i32
      %convert_element_type3A = arith.extui %ge3A_97 : i1 to i32
      %cond3A = arith.constant 0 : i32
      %cond3A_98 = arith.cmpi ne, %convert_element_type3A, %cond3A : i32
      scf.if %cond3A_98 {
        %dma_wait3A_130 = arith.constant 0 : i32
        %dma_wait3A_131 = arith.constant 0 : i32
        %dma_wait3A_132 = tpu.memref_slice %arg8[%select_n3A_94, %dma_wait3A_130, %dma_wait3A_131] : memref<2x128x128xf32, #tpu.memory_space<vmem>> -> memref<1x128x128xf32, #tpu.memory_space<vmem>>
        %dma_wait3A_133 = tpu.memref_squeeze %dma_wait3A_132 : memref<1x128x128xf32, #tpu.memory_space<vmem>> -> memref<128x128xf32, #tpu.memory_space<vmem>>
        %dma_wait3A_134 = arith.constant 0 : i32
        %dma_wait3A_135 = arith.constant 0 : i32
        %dma_wait3A_136 = tpu.memref_slice %arg2[%dma_wait3A_134, %dma_wait3A_135] : memref<10240x128xf32, #tpu.memory_space<hbm>> -> memref<128x128xf32, #tpu.memory_space<hbm>>
        %dma_wait3A_137 = arith.constant 0 : i32
        %dma_wait3A_138 = arith.constant 0 : i32
        %dma_wait3A_139 = tpu.memref_slice %arg8[%select_n3A_94, %dma_wait3A_137, %dma_wait3A_138] : memref<2x128x128xf32, #tpu.memory_space<vmem>> -> memref<1x128x128xf32, #tpu.memory_space<vmem>>
        %dma_wait3A_140 = tpu.memref_squeeze %dma_wait3A_139 : memref<1x128x128xf32, #tpu.memory_space<vmem>> -> memref<128x128xf32, #tpu.memory_space<vmem>>
        %dma_wait3A_141 = arith.constant 0 : i32
        %dma_wait3A_142 = arith.constant 0 : i32
        %dma_wait3A_143 = tpu.memref_slice %arg2[%dma_wait3A_141, %dma_wait3A_142] : memref<10240x128xf32, #tpu.memory_space<hbm>> -> memref<128x128xf32, #tpu.memory_space<hbm>>
        tpu.wait_dma2 semaphore(%arg12 : memref<!tpu.dma_semaphore, #tpu.memory_space<semaphore_mem>>) src(%dma_wait3A_143 : memref<128x128xf32, #tpu.memory_space<hbm>>) dst(%dma_wait3A_140 : memref<128x128xf32, #tpu.memory_space<vmem>>)
      } else {
      }
      %dma_start3A_99 = arith.constant 0 : i32
      %dma_start3A_100 = arith.constant 0 : i32
      %dma_start3A_101 = tpu.memref_slice %arg8[%select_n3A_94, %dma_start3A_99, %dma_start3A_100] : memref<2x128x128xf32, #tpu.memory_space<vmem>> -> memref<1x128x128xf32, #tpu.memory_space<vmem>>
      %dma_start3A_102 = tpu.memref_squeeze %dma_start3A_101 : memref<1x128x128xf32, #tpu.memory_space<vmem>> -> memref<128x128xf32, #tpu.memory_space<vmem>>
      %dma_start3A_103 = arith.constant 0 : i32
      %dma_start3A_104 = tpu.memref_slice %arg7[%select_n3A_94, %dma_start3A_103] : memref<2x128xi32, #tpu.memory_space<vmem>> -> memref<1x128xi32, #tpu.memory_space<vmem>>
      %dma_start3A_105 = tpu.memref_squeeze %dma_start3A_104 : memref<1x128xi32, #tpu.memory_space<vmem>> -> memref<128xi32, #tpu.memory_space<vmem>>
      %dma_start3A_106 = arith.constant 0 : i32
      %dma_start3A_107 = arith.constant 0 : i32
      %dma_start3A_108 = tpu.memref_slice %arg2[%dma_start3A_106, %dma_start3A_107] : memref<10240x128xf32, #tpu.memory_space<hbm>> -> memref<10240x128xf32, #tpu.memory_space<hbm>>
      tpu.enqueue_indirect_dma source(%dma_start3A_108 : memref<10240x128xf32, #tpu.memory_space<hbm>>) target(%dma_start3A_102 : memref<128x128xf32, #tpu.memory_space<vmem>>) offsets(%dma_start3A_105 : memref<128xi32, #tpu.memory_space<vmem>>) semaphore(%arg11 : memref<!tpu.dma_semaphore, #tpu.memory_space<semaphore_mem>>)
      %dma_wait3A_109 = arith.constant 0 : i32
      %dma_wait3A_110 = arith.constant 0 : i32
      %dma_wait3A_111 = tpu.memref_slice %arg8[%select_n3A_76, %dma_wait3A_109, %dma_wait3A_110] : memref<2x128x128xf32, #tpu.memory_space<vmem>> -> memref<1x128x128xf32, #tpu.memory_space<vmem>>
      %dma_wait3A_112 = tpu.memref_squeeze %dma_wait3A_111 : memref<1x128x128xf32, #tpu.memory_space<vmem>> -> memref<128x128xf32, #tpu.memory_space<vmem>>
      %dma_wait3A_113 = arith.constant 0 : i32
      %dma_wait3A_114 = tpu.memref_slice %arg7[%select_n3A_76, %dma_wait3A_113] : memref<2x128xi32, #tpu.memory_space<vmem>> -> memref<1x128xi32, #tpu.memory_space<vmem>>
      %dma_wait3A_115 = tpu.memref_squeeze %dma_wait3A_114 : memref<1x128xi32, #tpu.memory_space<vmem>> -> memref<128xi32, #tpu.memory_space<vmem>>
      %dma_wait3A_116 = arith.constant 0 : i32
      %dma_wait3A_117 = arith.constant 0 : i32
      %dma_wait3A_118 = tpu.memref_slice %arg2[%dma_wait3A_116, %dma_wait3A_117] : memref<10240x128xf32, #tpu.memory_space<hbm>> -> memref<10240x128xf32, #tpu.memory_space<hbm>>
      tpu.wait_indirect_dma semaphore(%arg11 : memref<!tpu.dma_semaphore, #tpu.memory_space<semaphore_mem>>) src(%dma_wait3A_118 : memref<10240x128xf32, #tpu.memory_space<hbm>>) dst(%dma_wait3A_112 : memref<128x128xf32, #tpu.memory_space<vmem>>)
      %dma_start3A_119 = arith.constant 0 : i32
      %dma_start3A_120 = arith.constant 0 : i32
      %dma_start3A_121 = tpu.memref_slice %arg8[%select_n3A_76, %dma_start3A_119, %dma_start3A_120] : memref<2x128x128xf32, #tpu.memory_space<vmem>> -> memref<1x128x128xf32, #tpu.memory_space<vmem>>
      %dma_start3A_122 = tpu.memref_squeeze %dma_start3A_121 : memref<1x128x128xf32, #tpu.memory_space<vmem>> -> memref<128x128xf32, #tpu.memory_space<vmem>>
      %dma_start3A_123 = arith.constant 0 : i32
      %dma_start3A_124 = tpu.memref_slice %arg6[%scan3A_66, %dma_start3A_123] : memref<79x128xi32, #tpu.memory_space<vmem>> -> memref<1x128xi32, #tpu.memory_space<vmem>>
      %dma_start3A_125 = tpu.memref_squeeze %dma_start3A_124 : memref<1x128xi32, #tpu.memory_space<vmem>> -> memref<128xi32, #tpu.memory_space<vmem>>
      %dma_start3A_126 = arith.constant 0 : i32
      %dma_start3A_127 = arith.constant 0 : i32
      %dma_start3A_128 = tpu.memref_slice %arg10[%dma_start3A_126, %dma_start3A_127] : memref<10240x128xf32, #tpu.memory_space<vmem_shared>> -> memref<10240x128xf32, #tpu.memory_space<vmem_shared>>
      tpu.enqueue_indirect_dma source(%dma_start3A_122 : memref<128x128xf32, #tpu.memory_space<vmem>>) target(%dma_start3A_128 : memref<10240x128xf32, #tpu.memory_space<vmem_shared>>) offsets(%dma_start3A_125 : memref<128xi32, #tpu.memory_space<vmem>>) semaphore(%arg12 : memref<!tpu.dma_semaphore, #tpu.memory_space<semaphore_mem>>) {add = true}
      %scan3A_129 = arith.constant 0 : i32
      scf.yield %scan3A_129 : i32
    }
    %scan3A_32 = arith.constant 78 : i32
    %dma_wait3A = arith.constant 0 : i32
    %dma_wait3A_33 = arith.constant 0 : i32
    %dma_wait3A_34 = arith.constant 0 : i32
    %dma_wait3A_35 = arith.constant 0 : i32
    %dma_wait3A_36 = tpu.memref_slice %arg8[%dma_wait3A_33, %dma_wait3A_34, %dma_wait3A_35] : memref<2x128x128xf32, #tpu.memory_space<vmem>> -> memref<1x128x128xf32, #tpu.memory_space<vmem>>
    %dma_wait3A_37 = tpu.memref_squeeze %dma_wait3A_36 : memref<1x128x128xf32, #tpu.memory_space<vmem>> -> memref<128x128xf32, #tpu.memory_space<vmem>>
    %dma_wait3A_38 = arith.constant 0 : i32
    %dma_wait3A_39 = tpu.memref_slice %arg7[%dma_wait3A, %dma_wait3A_38] : memref<2x128xi32, #tpu.memory_space<vmem>> -> memref<1x128xi32, #tpu.memory_space<vmem>>
    %dma_wait3A_40 = tpu.memref_squeeze %dma_wait3A_39 : memref<1x128xi32, #tpu.memory_space<vmem>> -> memref<128xi32, #tpu.memory_space<vmem>>
    %dma_wait3A_41 = arith.constant 0 : i32
    %dma_wait3A_42 = arith.constant 0 : i32
    %dma_wait3A_43 = tpu.memref_slice %arg2[%dma_wait3A_41, %dma_wait3A_42] : memref<10240x128xf32, #tpu.memory_space<hbm>> -> memref<10240x128xf32, #tpu.memory_space<hbm>>
    tpu.wait_indirect_dma semaphore(%arg11 : memref<!tpu.dma_semaphore, #tpu.memory_space<semaphore_mem>>) src(%dma_wait3A_43 : memref<10240x128xf32, #tpu.memory_space<hbm>>) dst(%dma_wait3A_37 : memref<128x128xf32, #tpu.memory_space<vmem>>)
    %dma_wait3A_44 = arith.constant 1 : i32
    %dma_wait3A_45 = arith.constant 0 : i32
    %dma_wait3A_46 = arith.constant 0 : i32
    %dma_wait3A_47 = tpu.memref_slice %arg8[%dma_wait3A_44, %dma_wait3A_45, %dma_wait3A_46] : memref<2x128x128xf32, #tpu.memory_space<vmem>> -> memref<1x128x128xf32, #tpu.memory_space<vmem>>
    %dma_wait3A_48 = tpu.memref_squeeze %dma_wait3A_47 : memref<1x128x128xf32, #tpu.memory_space<vmem>> -> memref<128x128xf32, #tpu.memory_space<vmem>>
    %dma_wait3A_49 = arith.constant 0 : i32
    %dma_wait3A_50 = arith.constant 0 : i32
    %dma_wait3A_51 = tpu.memref_slice %arg2[%dma_wait3A_49, %dma_wait3A_50] : memref<10240x128xf32, #tpu.memory_space<hbm>> -> memref<128x128xf32, #tpu.memory_space<hbm>>
    %dma_wait3A_52 = arith.constant 0 : i32
    %dma_wait3A_53 = arith.constant 0 : i32
    %dma_wait3A_54 = tpu.memref_slice %arg8[%dma_wait3A_44, %dma_wait3A_52, %dma_wait3A_53] : memref<2x128x128xf32, #tpu.memory_space<vmem>> -> memref<1x128x128xf32, #tpu.memory_space<vmem>>
    %dma_wait3A_55 = tpu.memref_squeeze %dma_wait3A_54 : memref<1x128x128xf32, #tpu.memory_space<vmem>> -> memref<128x128xf32, #tpu.memory_space<vmem>>
    %dma_wait3A_56 = arith.constant 0 : i32
    %dma_wait3A_57 = arith.constant 0 : i32
    %dma_wait3A_58 = tpu.memref_slice %arg2[%dma_wait3A_56, %dma_wait3A_57] : memref<10240x128xf32, #tpu.memory_space<hbm>> -> memref<128x128xf32, #tpu.memory_space<hbm>>
    tpu.wait_dma2 semaphore(%arg12 : memref<!tpu.dma_semaphore, #tpu.memory_space<semaphore_mem>>) src(%dma_wait3A_58 : memref<128x128xf32, #tpu.memory_space<hbm>>) dst(%dma_wait3A_55 : memref<128x128xf32, #tpu.memory_space<vmem>>)
    %run_scoped3A_59 = arith.constant 0 : i32
    %run_scoped3A_60 = arith.constant 78 : i32
    "tpu.region"() ({
      %run_scoped3A_66 = tpu.sem_alloc : memref<!tpu.dma_semaphore, #tpu.memory_space<semaphore_mem>>
      %dma_start3A_67 = arith.constant 0 : i32
      %dma_start3A_68 = arith.constant 0 : i32
      %dma_start3A_69 = tpu.memref_slice %arg8[%run_scoped3A_59, %dma_start3A_67, %dma_start3A_68] : memref<2x128x128xf32, #tpu.memory_space<vmem>> -> memref<1x128x128xf32, #tpu.memory_space<vmem>>
      %dma_start3A_70 = tpu.memref_squeeze %dma_start3A_69 : memref<1x128x128xf32, #tpu.memory_space<vmem>> -> memref<128x128xf32, #tpu.memory_space<vmem>>
      %dma_start3A_71 = arith.constant 0 : i32
      %dma_start3A_72 = tpu.memref_slice %arg6[%run_scoped3A_60, %dma_start3A_71] : memref<79x128xi32, #tpu.memory_space<vmem>> -> memref<1x128xi32, #tpu.memory_space<vmem>>
      %dma_start3A_73 = tpu.memref_squeeze %dma_start3A_72 : memref<1x128xi32, #tpu.memory_space<vmem>> -> memref<128xi32, #tpu.memory_space<vmem>>
      %dma_start3A_74 = arith.constant 0 : i32
      %dma_start3A_75 = arith.constant 0 : i32
      %dma_start3A_76 = tpu.memref_slice %arg10[%dma_start3A_74, %dma_start3A_75] : memref<10240x128xf32, #tpu.memory_space<vmem_shared>> -> memref<10240x128xf32, #tpu.memory_space<vmem_shared>>
      tpu.enqueue_indirect_dma source(%dma_start3A_70 : memref<128x128xf32, #tpu.memory_space<vmem>>) target(%dma_start3A_76 : memref<10240x128xf32, #tpu.memory_space<vmem_shared>>) offsets(%dma_start3A_73 : memref<128xi32, #tpu.memory_space<vmem>>) semaphore(%run_scoped3A_66 : memref<!tpu.dma_semaphore, #tpu.memory_space<semaphore_mem>>) {add = true}
      %dma_wait3A_77 = arith.constant 0 : i32
      %dma_wait3A_78 = arith.constant 0 : i32
      %dma_wait3A_79 = tpu.memref_slice %arg8[%run_scoped3A_59, %dma_wait3A_77, %dma_wait3A_78] : memref<2x128x128xf32, #tpu.memory_space<vmem>> -> memref<1x128x128xf32, #tpu.memory_space<vmem>>
      %dma_wait3A_80 = tpu.memref_squeeze %dma_wait3A_79 : memref<1x128x128xf32, #tpu.memory_space<vmem>> -> memref<128x128xf32, #tpu.memory_space<vmem>>
      %dma_wait3A_81 = arith.constant 0 : i32
      %dma_wait3A_82 = tpu.memref_slice %arg6[%run_scoped3A_60, %dma_wait3A_81] : memref<79x128xi32, #tpu.memory_space<vmem>> -> memref<1x128xi32, #tpu.memory_space<vmem>>
      %dma_wait3A_83 = tpu.memref_squeeze %dma_wait3A_82 : memref<1x128xi32, #tpu.memory_space<vmem>> -> memref<128xi32, #tpu.memory_space<vmem>>
      %dma_wait3A_84 = arith.constant 0 : i32
      %dma_wait3A_85 = arith.constant 0 : i32
      %dma_wait3A_86 = tpu.memref_slice %arg10[%dma_wait3A_84, %dma_wait3A_85] : memref<10240x128xf32, #tpu.memory_space<vmem_shared>> -> memref<10240x128xf32, #tpu.memory_space<vmem_shared>>
      tpu.wait_indirect_dma semaphore(%run_scoped3A_66 : memref<!tpu.dma_semaphore, #tpu.memory_space<semaphore_mem>>) src(%dma_wait3A_80 : memref<128x128xf32, #tpu.memory_space<vmem>>) dst(%dma_wait3A_86 : memref<10240x128xf32, #tpu.memory_space<vmem_shared>>)
      tpu.yield
    }) : () -> ()
    %barrier3A_61 = arith.constant 0 : index
    tpu.barrier barrier_id(%barrier3A_61)
    %mul3A_62 = arith.constant 640 : i32
    %mul3A_63 = arith.muli %arg1, %mul3A_62 : i32
    %mul3A_64 = arith.constant 640 : i32
    %mul3A_65 = arith.muli %arg1, %mul3A_64 : i32
    "tpu.region"() ({
      %run_scoped3A_66 = tpu.sem_alloc : memref<!tpu.dma_semaphore, #tpu.memory_space<semaphore_mem>>
      %dma_start3A_67 = arith.constant 0 : i32
      %dma_start3A_68 = tpu.memref_slice %arg5[%arg0, %mul3A_65, %dma_start3A_67] : memref<2x10240x128xf32, #tpu.memory_space<hbm>> -> memref<1x640x128xf32, #tpu.memory_space<hbm>>
      %dma_start3A_69 = tpu.memref_squeeze %dma_start3A_68 : memref<1x640x128xf32, #tpu.memory_space<hbm>> -> memref<640x128xf32, #tpu.memory_space<hbm>>
      %dma_start3A_70 = arith.constant 0 : i32
      %dma_start3A_71 = tpu.memref_slice %arg10[%mul3A_63, %dma_start3A_70] : memref<10240x128xf32, #tpu.memory_space<vmem_shared>> -> memref<640x128xf32, #tpu.memory_space<vmem_shared>>
      tpu.enqueue_dma source(%dma_start3A_71 : memref<640x128xf32, #tpu.memory_space<vmem_shared>>) target(%dma_start3A_69 : memref<640x128xf32, #tpu.memory_space<hbm>>) target_semaphore(%run_scoped3A_66 : memref<!tpu.dma_semaphore, #tpu.memory_space<semaphore_mem>>)
      %dma_wait3A_72 = arith.constant 0 : i32
      %dma_wait3A_73 = tpu.memref_slice %arg5[%arg0, %mul3A_65, %dma_wait3A_72] : memref<2x10240x128xf32, #tpu.memory_space<hbm>> -> memref<1x640x128xf32, #tpu.memory_space<hbm>>
      %dma_wait3A_74 = tpu.memref_squeeze %dma_wait3A_73 : memref<1x640x128xf32, #tpu.memory_space<hbm>> -> memref<640x128xf32, #tpu.memory_space<hbm>>
      %dma_wait3A_75 = arith.constant 0 : i32
      %dma_wait3A_76 = tpu.memref_slice %arg10[%mul3A_63, %dma_wait3A_75] : memref<10240x128xf32, #tpu.memory_space<vmem_shared>> -> memref<640x128xf32, #tpu.memory_space<vmem_shared>>
      tpu.wait_dma2 semaphore(%run_scoped3A_66 : memref<!tpu.dma_semaphore, #tpu.memory_space<semaphore_mem>>) src(%dma_wait3A_76 : memref<640x128xf32, #tpu.memory_space<vmem_shared>>) dst(%dma_wait3A_74 : memref<640x128xf32, #tpu.memory_space<hbm>>)
      tpu.yield
    }) : () -> ()
    return
  }
}

module attributes {stable_mosaic.version = 14 : i64} {
  func.func @_tc1_body(%arg0: i32, %arg1: memref<2x1024x1xf32, #tpu.memory_space<vmem>>, %arg2: memref<1024x128xf32, #tpu.memory_space<vmem>>, %arg3: memref<128x128xf32, #tpu.memory_space<vmem>>, %arg4: memref<1024x128xf32, #tpu.memory_space<vmem>>) attributes {dimension_semantics = [#tpu.dimension_semantics<arbitrary>], iteration_bounds = array<i64: 10>, scalar_prefetch = 0 : i64, scratch_operands = 0 : i64, tpu.core_type = #tpu.core_type<tc>, window_params = [{transform_indices = @transform_0, window_bounds = array<i64: 2, 1024, 1>}, {transform_indices = @transform_1, window_bounds = array<i64: 1024, 128>}, {pipeline_mode = #tpu.pipeline_mode<synchronous>, transform_indices = @transform_2, window_bounds = array<i64: 128, 128>}, {transform_indices = @transform_3, window_bounds = array<i64: 1024, 128>}]} {
    %get3A = arith.constant 0 : index
    %get3A_0 = arith.constant 0 : index
    %get3A_1 = arith.constant 0 : index
    %get3A_2 = vector.load %arg1[%get3A, %get3A_0, %get3A_1] : memref<2x1024x1xf32, #tpu.memory_space<vmem>>, vector<1x1024x1xf32>
    %get3A_3 = vector.shape_cast %get3A_2 : vector<1x1024x1xf32> to vector<1024x1xf32>
    %get3A_4 = arith.constant 1 : index
    %get3A_5 = arith.constant 0 : index
    %get3A_6 = arith.constant 0 : index
    %get3A_7 = vector.load %arg1[%get3A_4, %get3A_5, %get3A_6] : memref<2x1024x1xf32, #tpu.memory_space<vmem>>, vector<1x1024x1xf32>
    %get3A_8 = vector.shape_cast %get3A_7 : vector<1x1024x1xf32> to vector<1024x1xf32>
    %add3A = arith.addf %get3A_3, %get3A_8 : vector<1024x1xf32>
    %add3A_9 = arith.constant 1.000000e+00 : f32
    %add3A_10 = vector.broadcast %add3A_9 : f32 to vector<1024x1xf32>
    %add3A_11 = arith.addf %add3A, %add3A_10 : vector<1024x1xf32>
    %rsqrt3A = math.rsqrt %add3A_11 : vector<1024x1xf32>
    %get3A_12 = arith.constant 0 : index
    %get3A_13 = arith.constant 0 : index
    %get3A_14 = vector.load %arg2[%get3A_12, %get3A_13] : memref<1024x128xf32, #tpu.memory_space<vmem>>, vector<1024x128xf32>
    %get3A_15 = arith.constant 0 : index
    %get3A_16 = arith.constant 0 : index
    %get3A_17 = vector.load %arg3[%get3A_15, %get3A_16] : memref<128x128xf32, #tpu.memory_space<vmem>>, vector<128x128xf32>
    %dot_general3A = arith.constant dense<0.000000e+00> : vector<1024x128xf32>
    %dot_general3A_18 = tpu.matmul %get3A_14, %get3A_17, %dot_general3A {dimension_numbers = #tpu.dot_dimension_numbers<[1], [0], [0], [1], [0, 0, 1, 1], [], []>, transpose_lhs_hint = false} : vector<1024x128xf32>, vector<128x128xf32>, vector<1024x128xf32> -> vector<1024x128xf32>
    %mul3A = vector.broadcast %rsqrt3A : vector<1024x1xf32> to vector<1024x128xf32>
    %mul3A_19 = arith.mulf %mul3A, %dot_general3A_18 : vector<1024x128xf32>
    %swap3A = arith.constant 0 : index
    %swap3A_20 = arith.constant 0 : index
    %swap3A_21 = vector.load %arg4[%swap3A, %swap3A_20] : memref<1024x128xf32, #tpu.memory_space<vmem>>, vector<1024x128xf32>
    tpu.vector_store %arg4[%swap3A, %swap3A_20], %mul3A_19 {strides = array<i32>} : memref<1024x128xf32, #tpu.memory_space<vmem>>, vector<1024x128xf32>,
    return
  }
  func.func @transform_0(%arg0: i32) -> (i32, i32, i32) {
    %c0_i32 = arith.constant 0 : i32
    %c0_i32_0 = arith.constant 0 : i32
    %c0_i32_1 = arith.constant 0 : i32
    return %c0_i32, %arg0, %c0_i32_0 : i32, i32, i32
  }
  func.func @transform_1(%arg0: i32) -> (i32, i32) {
    %c0_i32 = arith.constant 0 : i32
    %c0_i32_0 = arith.constant 0 : i32
    return %arg0, %c0_i32 : i32, i32
  }
  func.func @transform_2(%arg0: i32) -> (i32, i32) {
    %c0_i32 = arith.constant 0 : i32
    %c0_i32_0 = arith.constant 0 : i32
    %c0_i32_1 = arith.constant 0 : i32
    return %c0_i32, %c0_i32_0 : i32, i32
  }
  func.func @transform_3(%arg0: i32) -> (i32, i32) {
    %c0_i32 = arith.constant 0 : i32
    %c0_i32_0 = arith.constant 0 : i32
    return %arg0, %c0_i32 : i32, i32
  }
}

module attributes {stable_mosaic.version = 14 : i64} {
  func.func @_tc_mid_body(%arg0: i32, %arg1: memref<2x1024x1xf32, #tpu.memory_space<vmem>>, %arg2: memref<2x1024x128xf32, #tpu.memory_space<vmem>>, %arg3: memref<1024x128xf32, #tpu.memory_space<vmem>>, %arg4: memref<1x128xf32, #tpu.memory_space<vmem>>, %arg5: memref<128x128xf32, #tpu.memory_space<vmem>>, %arg6: memref<1024x128xf32, #tpu.memory_space<vmem>>) attributes {dimension_semantics = [#tpu.dimension_semantics<arbitrary>], iteration_bounds = array<i64: 10>, scalar_prefetch = 0 : i64, scratch_operands = 0 : i64, tpu.core_type = #tpu.core_type<tc>, window_params = [{transform_indices = @transform_0, window_bounds = array<i64: 2, 1024, 1>}, {transform_indices = @transform_1, window_bounds = array<i64: 2, 1024, 128>}, {transform_indices = @transform_2, window_bounds = array<i64: 1024, 128>}, {pipeline_mode = #tpu.pipeline_mode<synchronous>, transform_indices = @transform_3, window_bounds = array<i64: 1, 128>}, {pipeline_mode = #tpu.pipeline_mode<synchronous>, transform_indices = @transform_4, window_bounds = array<i64: 128, 128>}, {transform_indices = @transform_5, window_bounds = array<i64: 1024, 128>}]} {
    %get3A = arith.constant 0 : index
    %get3A_0 = arith.constant 0 : index
    %get3A_1 = arith.constant 0 : index
    %get3A_2 = vector.load %arg1[%get3A, %get3A_0, %get3A_1] : memref<2x1024x1xf32, #tpu.memory_space<vmem>>, vector<1x1024x1xf32>
    %get3A_3 = vector.shape_cast %get3A_2 : vector<1x1024x1xf32> to vector<1024x1xf32>
    %get3A_4 = arith.constant 1 : index
    %get3A_5 = arith.constant 0 : index
    %get3A_6 = arith.constant 0 : index
    %get3A_7 = vector.load %arg1[%get3A_4, %get3A_5, %get3A_6] : memref<2x1024x1xf32, #tpu.memory_space<vmem>>, vector<1x1024x1xf32>
    %get3A_8 = vector.shape_cast %get3A_7 : vector<1x1024x1xf32> to vector<1024x1xf32>
    %add3A = arith.addf %get3A_3, %get3A_8 : vector<1024x1xf32>
    %add3A_9 = arith.constant 1.000000e+00 : f32
    %add3A_10 = vector.broadcast %add3A_9 : f32 to vector<1024x1xf32>
    %add3A_11 = arith.addf %add3A, %add3A_10 : vector<1024x1xf32>
    %rsqrt3A = math.rsqrt %add3A_11 : vector<1024x1xf32>
    %get3A_12 = arith.constant 0 : index
    %get3A_13 = arith.constant 0 : index
    %get3A_14 = arith.constant 0 : index
    %get3A_15 = vector.load %arg2[%get3A_12, %get3A_13, %get3A_14] : memref<2x1024x128xf32, #tpu.memory_space<vmem>>, vector<1x1024x128xf32>
    %get3A_16 = vector.shape_cast %get3A_15 : vector<1x1024x128xf32> to vector<1024x128xf32>
    %get3A_17 = arith.constant 1 : index
    %get3A_18 = arith.constant 0 : index
    %get3A_19 = arith.constant 0 : index
    %get3A_20 = vector.load %arg2[%get3A_17, %get3A_18, %get3A_19] : memref<2x1024x128xf32, #tpu.memory_space<vmem>>, vector<1x1024x128xf32>
    %get3A_21 = vector.shape_cast %get3A_20 : vector<1x1024x128xf32> to vector<1024x128xf32>
    %add3A_22 = arith.addf %get3A_16, %get3A_21 : vector<1024x128xf32>
    %get3A_23 = arith.constant 0 : index
    %get3A_24 = arith.constant 0 : index
    %get3A_25 = vector.load %arg3[%get3A_23, %get3A_24] : memref<1024x128xf32, #tpu.memory_space<vmem>>, vector<1024x128xf32>
    %add3A_26 = arith.addf %add3A_22, %get3A_25 : vector<1024x128xf32>
    %mul3A = vector.broadcast %rsqrt3A : vector<1024x1xf32> to vector<1024x128xf32>
    %mul3A_27 = arith.mulf %mul3A, %add3A_26 : vector<1024x128xf32>
    %get3A_28 = arith.constant 0 : index
    %get3A_29 = arith.constant 0 : index
    %get3A_30 = vector.load %arg4[%get3A_28, %get3A_29] : memref<1x128xf32, #tpu.memory_space<vmem>>, vector<1x128xf32>
    %add3A_31 = vector.broadcast %get3A_30 : vector<1x128xf32> to vector<1024x128xf32>
    %add3A_32 = arith.addf %mul3A_27, %add3A_31 : vector<1024x128xf32>
    %max3A = arith.constant 0.000000e+00 : f32
    %max3A_33 = vector.broadcast %max3A : f32 to vector<1024x128xf32>
    %max3A_34 = arith.maximumf %add3A_32, %max3A_33 : vector<1024x128xf32>
    %get3A_35 = arith.constant 0 : index
    %get3A_36 = arith.constant 0 : index
    %get3A_37 = vector.load %arg5[%get3A_35, %get3A_36] : memref<128x128xf32, #tpu.memory_space<vmem>>, vector<128x128xf32>
    %dot_general3A = arith.constant dense<0.000000e+00> : vector<1024x128xf32>
    %dot_general3A_38 = tpu.matmul %max3A_34, %get3A_37, %dot_general3A {dimension_numbers = #tpu.dot_dimension_numbers<[1], [0], [0], [1], [0, 0, 1, 1], [], []>, transpose_lhs_hint = false} : vector<1024x128xf32>, vector<128x128xf32>, vector<1024x128xf32> -> vector<1024x128xf32>
    %mul3A_39 = vector.broadcast %rsqrt3A : vector<1024x1xf32> to vector<1024x128xf32>
    %mul3A_40 = arith.mulf %mul3A_39, %dot_general3A_38 : vector<1024x128xf32>
    %swap3A = arith.constant 0 : index
    %swap3A_41 = arith.constant 0 : index
    %swap3A_42 = vector.load %arg6[%swap3A, %swap3A_41] : memref<1024x128xf32, #tpu.memory_space<vmem>>, vector<1024x128xf32>
    tpu.vector_store %arg6[%swap3A, %swap3A_41], %mul3A_40 {strides = array<i32>} : memref<1024x128xf32, #tpu.memory_space<vmem>>, vector<1024x128xf32>,
    return
  }
  func.func @transform_0(%arg0: i32) -> (i32, i32, i32) {
    %c0_i32 = arith.constant 0 : i32
    %c0_i32_0 = arith.constant 0 : i32
    %c0_i32_1 = arith.constant 0 : i32
    return %c0_i32, %arg0, %c0_i32_0 : i32, i32, i32
  }
  func.func @transform_1(%arg0: i32) -> (i32, i32, i32) {
    %c0_i32 = arith.constant 0 : i32
    %c0_i32_0 = arith.constant 0 : i32
    %c0_i32_1 = arith.constant 0 : i32
    return %c0_i32, %arg0, %c0_i32_0 : i32, i32, i32
  }
  func.func @transform_2(%arg0: i32) -> (i32, i32) {
    %c0_i32 = arith.constant 0 : i32
    %c0_i32_0 = arith.constant 0 : i32
    return %arg0, %c0_i32 : i32, i32
  }
  func.func @transform_3(%arg0: i32) -> (i32, i32) {
    %c0_i32 = arith.constant 0 : i32
    %c0_i32_0 = arith.constant 0 : i32
    %c0_i32_1 = arith.constant 0 : i32
    return %c0_i32, %c0_i32_0 : i32, i32
  }
  func.func @transform_4(%arg0: i32) -> (i32, i32) {
    %c0_i32 = arith.constant 0 : i32
    %c0_i32_0 = arith.constant 0 : i32
    %c0_i32_1 = arith.constant 0 : i32
    return %c0_i32, %c0_i32_0 : i32, i32
  }
  func.func @transform_5(%arg0: i32) -> (i32, i32) {
    %c0_i32 = arith.constant 0 : i32
    %c0_i32_0 = arith.constant 0 : i32
    return %arg0, %c0_i32 : i32, i32
  }
}

module attributes {stable_mosaic.version = 14 : i64} {
  func.func @_tc_head_body(%arg0: i32, %arg1: memref<2x1024x1xf32, #tpu.memory_space<vmem>>, %arg2: memref<2x1024x128xf32, #tpu.memory_space<vmem>>, %arg3: memref<1024x128xf32, #tpu.memory_space<vmem>>, %arg4: memref<1x128xf32, #tpu.memory_space<vmem>>, %arg5: memref<128x128xf32, #tpu.memory_space<vmem>>, %arg6: memref<1x128xf32, #tpu.memory_space<vmem>>, %arg7: memref<1024x128xf32, #tpu.memory_space<vmem>>) attributes {dimension_semantics = [#tpu.dimension_semantics<arbitrary>], iteration_bounds = array<i64: 10>, scalar_prefetch = 0 : i64, scratch_operands = 0 : i64, tpu.core_type = #tpu.core_type<tc>, window_params = [{transform_indices = @transform_0, window_bounds = array<i64: 2, 1024, 1>}, {transform_indices = @transform_1, window_bounds = array<i64: 2, 1024, 128>}, {transform_indices = @transform_2, window_bounds = array<i64: 1024, 128>}, {pipeline_mode = #tpu.pipeline_mode<synchronous>, transform_indices = @transform_3, window_bounds = array<i64: 1, 128>}, {pipeline_mode = #tpu.pipeline_mode<synchronous>, transform_indices = @transform_4, window_bounds = array<i64: 128, 128>}, {pipeline_mode = #tpu.pipeline_mode<synchronous>, transform_indices = @transform_5, window_bounds = array<i64: 1, 128>}, {transform_indices = @transform_6, window_bounds = array<i64: 1024, 128>}]} {
    %get3A = arith.constant 0 : index
    %get3A_0 = arith.constant 0 : index
    %get3A_1 = arith.constant 0 : index
    %get3A_2 = vector.load %arg1[%get3A, %get3A_0, %get3A_1] : memref<2x1024x1xf32, #tpu.memory_space<vmem>>, vector<1x1024x1xf32>
    %get3A_3 = vector.shape_cast %get3A_2 : vector<1x1024x1xf32> to vector<1024x1xf32>
    %get3A_4 = arith.constant 1 : index
    %get3A_5 = arith.constant 0 : index
    %get3A_6 = arith.constant 0 : index
    %get3A_7 = vector.load %arg1[%get3A_4, %get3A_5, %get3A_6] : memref<2x1024x1xf32, #tpu.memory_space<vmem>>, vector<1x1024x1xf32>
    %get3A_8 = vector.shape_cast %get3A_7 : vector<1x1024x1xf32> to vector<1024x1xf32>
    %add3A = arith.addf %get3A_3, %get3A_8 : vector<1024x1xf32>
    %add3A_9 = arith.constant 1.000000e+00 : f32
    %add3A_10 = vector.broadcast %add3A_9 : f32 to vector<1024x1xf32>
    %add3A_11 = arith.addf %add3A, %add3A_10 : vector<1024x1xf32>
    %rsqrt3A = math.rsqrt %add3A_11 : vector<1024x1xf32>
    %get3A_12 = arith.constant 0 : index
    %get3A_13 = arith.constant 0 : index
    %get3A_14 = arith.constant 0 : index
    %get3A_15 = vector.load %arg2[%get3A_12, %get3A_13, %get3A_14] : memref<2x1024x128xf32, #tpu.memory_space<vmem>>, vector<1x1024x128xf32>
    %get3A_16 = vector.shape_cast %get3A_15 : vector<1x1024x128xf32> to vector<1024x128xf32>
    %get3A_17 = arith.constant 1 : index
    %get3A_18 = arith.constant 0 : index
    %get3A_19 = arith.constant 0 : index
    %get3A_20 = vector.load %arg2[%get3A_17, %get3A_18, %get3A_19] : memref<2x1024x128xf32, #tpu.memory_space<vmem>>, vector<1x1024x128xf32>
    %get3A_21 = vector.shape_cast %get3A_20 : vector<1x1024x128xf32> to vector<1024x128xf32>
    %add3A_22 = arith.addf %get3A_16, %get3A_21 : vector<1024x128xf32>
    %get3A_23 = arith.constant 0 : index
    %get3A_24 = arith.constant 0 : index
    %get3A_25 = vector.load %arg3[%get3A_23, %get3A_24] : memref<1024x128xf32, #tpu.memory_space<vmem>>, vector<1024x128xf32>
    %add3A_26 = arith.addf %add3A_22, %get3A_25 : vector<1024x128xf32>
    %mul3A = vector.broadcast %rsqrt3A : vector<1024x1xf32> to vector<1024x128xf32>
    %mul3A_27 = arith.mulf %mul3A, %add3A_26 : vector<1024x128xf32>
    %get3A_28 = arith.constant 0 : index
    %get3A_29 = arith.constant 0 : index
    %get3A_30 = vector.load %arg4[%get3A_28, %get3A_29] : memref<1x128xf32, #tpu.memory_space<vmem>>, vector<1x128xf32>
    %add3A_31 = vector.broadcast %get3A_30 : vector<1x128xf32> to vector<1024x128xf32>
    %add3A_32 = arith.addf %mul3A_27, %add3A_31 : vector<1024x128xf32>
    %max3A = arith.constant 0.000000e+00 : f32
    %max3A_33 = vector.broadcast %max3A : f32 to vector<1024x128xf32>
    %max3A_34 = arith.maximumf %add3A_32, %max3A_33 : vector<1024x128xf32>
    %get3A_35 = arith.constant 0 : index
    %get3A_36 = arith.constant 0 : index
    %get3A_37 = vector.load %arg5[%get3A_35, %get3A_36] : memref<128x128xf32, #tpu.memory_space<vmem>>, vector<128x128xf32>
    %dot_general3A = arith.constant dense<0.000000e+00> : vector<1024x128xf32>
    %dot_general3A_38 = tpu.matmul %max3A_34, %get3A_37, %dot_general3A {dimension_numbers = #tpu.dot_dimension_numbers<[1], [0], [0], [1], [0, 0, 1, 1], [], []>, transpose_lhs_hint = false} : vector<1024x128xf32>, vector<128x128xf32>, vector<1024x128xf32> -> vector<1024x128xf32>
    %get3A_39 = arith.constant 0 : index
    %get3A_40 = arith.constant 0 : index
    %get3A_41 = vector.load %arg6[%get3A_39, %get3A_40] : memref<1x128xf32, #tpu.memory_space<vmem>>, vector<1x128xf32>
    %add3A_42 = vector.broadcast %get3A_41 : vector<1x128xf32> to vector<1024x128xf32>
    %add3A_43 = arith.addf %dot_general3A_38, %add3A_42 : vector<1024x128xf32>
    %swap3A = arith.constant 0 : index
    %swap3A_44 = arith.constant 0 : index
    %swap3A_45 = vector.load %arg7[%swap3A, %swap3A_44] : memref<1024x128xf32, #tpu.memory_space<vmem>>, vector<1024x128xf32>
    tpu.vector_store %arg7[%swap3A, %swap3A_44], %add3A_43 {strides = array<i32>} : memref<1024x128xf32, #tpu.memory_space<vmem>>, vector<1024x128xf32>,
    return
  }
  func.func @transform_0(%arg0: i32) -> (i32, i32, i32) {
    %c0_i32 = arith.constant 0 : i32
    %c0_i32_0 = arith.constant 0 : i32
    %c0_i32_1 = arith.constant 0 : i32
    return %c0_i32, %arg0, %c0_i32_0 : i32, i32, i32
  }
  func.func @transform_1(%arg0: i32) -> (i32, i32, i32) {
    %c0_i32 = arith.constant 0 : i32
    %c0_i32_0 = arith.constant 0 : i32
    %c0_i32_1 = arith.constant 0 : i32
    return %c0_i32, %arg0, %c0_i32_0 : i32, i32, i32
  }
  func.func @transform_2(%arg0: i32) -> (i32, i32) {
    %c0_i32 = arith.constant 0 : i32
    %c0_i32_0 = arith.constant 0 : i32
    return %arg0, %c0_i32 : i32, i32
  }
  func.func @transform_3(%arg0: i32) -> (i32, i32) {
    %c0_i32 = arith.constant 0 : i32
    %c0_i32_0 = arith.constant 0 : i32
    %c0_i32_1 = arith.constant 0 : i32
    return %c0_i32, %c0_i32_0 : i32, i32
  }
  func.func @transform_4(%arg0: i32) -> (i32, i32) {
    %c0_i32 = arith.constant 0 : i32
    %c0_i32_0 = arith.constant 0 : i32
    %c0_i32_1 = arith.constant 0 : i32
    return %c0_i32, %c0_i32_0 : i32, i32
  }
  func.func @transform_5(%arg0: i32) -> (i32, i32) {
    %c0_i32 = arith.constant 0 : i32
    %c0_i32_0 = arith.constant 0 : i32
    %c0_i32_1 = arith.constant 0 : i32
    return %c0_i32, %c0_i32_0 : i32, i32
  }
  func.func @transform_6(%arg0: i32) -> (i32, i32) {
    %c0_i32 = arith.constant 0 : i32
    %c0_i32_0 = arith.constant 0 : i32
    return %arg0, %c0_i32 : i32, i32
  }
}

</mosaic_0001>

<sc_bundles>
// kernel: kernel.11.cloned.1.call-start
scs
__scs_entry_jumppad:
0x0: {  	(pc) =	sbr.rel $0x88, $3  }
0x1: {  	(tag) =	ssettag $0x0;
	lr =	simm.s32 $0x1  }
0x2: {  	[smem:$0x3F97] =	sst lr;
	_ =	strace $0xD0000000  }
0x3: {  	_ = 	snop  }
0x4: {  	_ = 	snop  }
0x5: {  	_ = 	snop  }
0x6: {  	_ = 	snop  }
0x7: {  	_ = 	snop  }
__scs_overlays_trampoline_lowered:
0x8: {  	[smem:$0x3FA6] =	sst s0  }
0x9: {  	[smem:$0x3FA7] =	sst s1  }
0xa: {  	[smem:$0x3FA8] =	sst s2  }
0xb: {  	[smem:$0x3FA9] =	sst s3  }
0xc: {  	[smem:$0x3FAA] =	sst s4  }
0xd: {  	[smem:$0x3FAB] =	sst s5  }
0xe: {  	[smem:$0x3FAC] =	sst s6  }
0xf: {  	[smem:$0x3FAD] =	sst s7  }
0x10: {  	[smem:$0x3FAE] =	sst s8  }
0x11: {  	[smem:$0x3FAF] =	sst s9;
	s0 =	simm.s32 @!p0 $0x0  }
0x12: {  	s1 =	sld [smem:$0x3F95];
	s0 =	simm.s32 @p0 $0x1  }
0x13: {  	[smem:$0x3FB0] =	sst s0;
	s0 =	simm.s32 @!p1 $0x0  }
0x14: {  	s2 =	sld [smem:$0x3F94];
	s0 =	simm.s32 @p1 $0x1  }
0x15: {  	[smem:$0x3FB1] =	sst s0;
	s0 =	simm.s32 @!p2 $0x0  }
0x16: {  	s3 =	sld [smem:$0x3FDB];
	s0 =	simm.s32 @p2 $0x1  }
0x17: {  	s4 =	simm.s32 $0x1BF5;
	[smem:$0x3FB3] =	sst s0  }
0x18: {  	s0 =	sld [smem:$0x3F96];
	_ =	swait.ge [sflag:s4], $0x0  }
0x19: {  	s7 =	sld [smem:$0x3F97]  }
0x1a: {  	s8 =	sadd.s32 $0xFFFFE003, lr  }
0x1b: {  	s9 =	sadd.s32 $0xFFFFFEF7, lr;
	s5 =	simm.s32 $0xFFFFFFFF;
	p2 =	slt.u32 s8, $0xFFFFF086  }
0x1c: {  	p1 =	slt.u32 s9, $0xF7A;
	s5 =	simm.s32 @!p2 $0x0  }
0x1d: {  	s5 =	simm.s32 @p1 $0x1;
	p0 =	seq.s32 s7, s2  }
0x1e: {  	s7 =	smul.u32 @!p0 $0xF7A, s2;
	p2 =	seq.s32 @!p0 s5, $0x0  }
0x1f: {  	s9 =	smul.u32 $0xF7A, s1;
	s8 =	simm.s32 @!p0 $0x1BF5;
	p2 =	por !p2, p0  }
0x20: {  	[sflag:s8] =	ssyncset.s32 @!p0 $0xFFFFF086;
	s6 =	sadd.s32 @!p0 s3, s7;
	s7 =	simm.s32 @!p0 $0x108  }
0x21: {  	s3 =	sadd.s32 s3, s9;
	s6 =	sadd.s32 @!p0 $0x88, s6;
	s7 =	simm.s32 @p2 $0x1082  }
0x22: {  	[simem:s7], [sflag:s8] =	dma.local @!p0 [hbm:s6], $0xF7A  }
0x23: {  	s9 =	sor.u32 $0xD0000000, s2;
	s6 =	simm.s32 $0x108;
	_ =	swait.ge @!p0 [sflag:s8], $0x0  }
0x24: {  	s3 =	sadd.s32 $0x88, s3;
	s6 =	simm.s32 @!p1 $0x1082;
	[sflag:s4] =	ssyncset.s32 $0xFFFFF086  }
0x25: {  	[simem:s6], [sflag:s4] =	dma.local [hbm:s3], $0xF7A  }
0x26: {  	[smem:$0x3F97] =	sst s1;
	(tag) =	ssettag s2;
	_ =	strace s9  }
0x27: {  	s1 =	sld [smem:$0x3FA7]  }
0x28: {  	s2 =	sld [smem:$0x3FA8]  }
0x29: {  	s4 =	sld [smem:$0x3FAA]  }
0x2a: {  	p0 =	seq.s32 s5, $0x0;
	s5 =	sld [smem:$0x3FAB]  }
0x2b: {  	s6 =	sld [smem:$0x3FAC]  }
0x2c: {  	s7 =	sld [smem:$0x3FAD]  }
0x2d: {  	s3 =	simm.s32 $0x108;
	s8 =	sld [smem:$0x3FAE]  }
0x2e: {  	s3 =	simm.s32 @!p0 $0x1082;
	s9 =	sld [smem:$0x3FAF]  }
0x2f: {  	lr =	sadd.s32 s0, s3;
	s0 =	sld [smem:$0x3FA6]  }
0x30: {  	s3 =	sld [smem:$0x3FA9]  }
0x31: {  	[smem:$0x3FB2] =	sst s10  }
0x32: {  	s10 =	sld [smem:$0x3FB0];
	_ =	sdelay $0x3  }
0x33: {  	p0 =	seq.s32 s10, $0x1;
	s10 =	sld [smem:$0x3FB2];
	_ =	sdelay $0x3  }
0x34: {  	[smem:$0x3FB2] =	sst s10  }
0x35: {  	s10 =	sld [smem:$0x3FB1];
	_ =	sdelay $0x3  }
0x36: {  	p1 =	seq.s32 s10, $0x1;
	s10 =	sld [smem:$0x3FB2];
	_ =	sdelay $0x3  }
0x37: {  	[smem:$0x3FB2] =	sst s10  }
0x38: {  	s10 =	sld [smem:$0x3FB3]  }
0x39: {  	_ = 	snop;
	(pc) =	sbr.ind lr, $3  }
0x3a: {  	_ = 	snop  }
0x3b: {  	_ = 	snop  }
0x3c: {  	p2 =	seq.s32 s10, $0x1;
	s10 =	sld [smem:$0x3FB2]  }
0x3d: {  	_ =	shalt  }
0x3e: {  	_ =	shalt  }
0x3f: {  	_ =	shalt  }
0x40: {  	_ =	shalt  }
0x41: {  	_ =	shalt  }
0x42: {  	_ =	shalt  }
0x43: {  	_ =	shalt  }
0x44: {  	_ =	shalt  }
0x45: {  	_ =	shalt  }
0x46: {  	_ =	shalt  }
0x47: {  	_ =	shalt  }
0x48: {  	_ =	shalt  }
0x49: {  	_ =	shalt  }
0x4a: {  	_ =	shalt  }
0x4b: {  	_ =	shalt  }
0x4c: {  	_ =	shalt  }
0x4d: {  	_ =	shalt  }
0x4e: {  	_ =	shalt  }
0x4f: {  	_ =	shalt  }
0x50: {  	_ =	shalt  }
0x51: {  	_ =	shalt  }
0x52: {  	_ =	shalt  }
0x53: {  	_ =	shalt  }
0x54: {  	_ =	shalt  }
0x55: {  	_ =	shalt  }
0x56: {  	_ =	shalt  }
0x57: {  	_ =	shalt  }
0x58: {  	_ =	shalt  }
0x59: {  	_ =	shalt  }
0x5a: {  	_ =	shalt  }
0x5b: {  	_ =	shalt  }
0x5c: {  	_ =	shalt  }
0x5d: {  	_ =	shalt  }
0x5e: {  	_ =	shalt  }
0x5f: {  	_ =	shalt  }
0x60: {  	_ =	shalt  }
0x61: {  	_ =	shalt  }
0x62: {  	_ =	shalt  }
0x63: {  	_ =	shalt  }
0x64: {  	_ =	shalt  }
0x65: {  	_ =	shalt  }
0x66: {  	_ =	shalt  }
0x67: {  	_ =	shalt  }
0x68: {  	_ =	shalt  }
0x69: {  	_ =	shalt  }
0x6a: {  	_ =	shalt  }
0x6b: {  	_ =	shalt  }
0x6c: {  	_ =	shalt  }
0x6d: {  	_ =	shalt  }
0x6e: {  	_ =	shalt  }
0x6f: {  	_ =	shalt  }
0x70: {  	_ =	shalt  }
0x71: {  	_ =	shalt  }
0x72: {  	_ =	shalt  }
0x73: {  	_ =	shalt  }
0x74: {  	_ =	shalt  }
0x75: {  	_ =	shalt  }
0x76: {  	_ =	shalt  }
0x77: {  	_ =	shalt  }
0x78: {  	_ =	shalt  }
0x79: {  	_ =	shalt  }
0x7a: {  	_ =	shalt  }
0x7b: {  	_ =	shalt  }
0x7c: {  	_ =	shalt  }
0x7d: {  	_ =	shalt  }
0x7e: {  	_ =	shalt  }
0x7f: {  	_ =	shalt  }
0x80: {  	_ =	shalt  }
0x81: {  	_ =	shalt  }
0x82: {  	_ =	shalt  }
0x83: {  	_ =	shalt  }
0x84: {  	_ =	shalt  }
0x85: {  	_ =	shalt  }
0x86: {  	_ =	shalt  }
0x87: {  	_ =	shalt  }
.Lfunc_end0:
.L_simem_size_0:
called_computation.1_lowered:
.L_overlay_start_0:
0x88: {  	s2 =	sld [smem:$0x3FD9]  }
0x89: {  	s3 =	sld [smem:$0x3FFE];
	_ =	sdelay $0x1  }
0x8a: {  	s1 =	srdreg.scid  }
0x8b: {  	s0 =	sand.u32 $0x1, s1  }
0x8c: {  	s16 =	sshll.u32 s0, $0xA;
	s2 =	sadd.s32 s3, s2  }
0x8d: {  	s2 =	sadd.s32 s2, s16  }
0x8e: {  	[smem:$0x3FBE] =	sst s2  }
0x8f: {  	_ = 	snop  }
0x90: {  	(tm) =	ssettm $0x1  }
0x91: {  	s17 =	sld [smem:$0x3FFB];
	_ =	sdelay $0x3  }
0x92: {  	_ =	strace s17  }
0x93: {  	s2 =	sld [smem:$0x3FFC];
	_ =	sdelay $0x3  }
0x94: {  	_ =	strace s2  }
0x95: {  	s2 =	sld [smem:$0x3FFD];
	_ =	sdelay $0x3  }
0x96: {  	_ =	strace s2  }
0x97: {  	_ =	strace $0x8FFFFFFF  }
0x98: {  	s18 =	sld [smem:$0x3FDB];
	_ =	sdelay $0x1  }
0x99: {  	s19 =	simm.s32 $_scs_section_size  }
0x9a: {  	s4 =	simm.s32 $_size__tile_overlayer_lowered;
	s5 =	simm.s32 $_tile_overlayer_lowered  }
0x9b: {  	s22 =	simm.s32 $0x1BFF;
	s21 =	sshll.u32 s5, $0x1;
	s2 =	sadd.s32 s19, s18  }
0x9c: {  	s6 =	simm.s32 $0x0;
	s20 =	sshll.u32 s4, $0x1;
	s4 =	sadd.s32 s21, s2  }
0x9d: {  	[timem:s6], [sflag:s22] =	dma.local [hbm:s4], s20  }
0x9e: {  	_ =	swait.ge [sflag:s22], s20  }
0x9f: {  	s3 =	ssub.s32 $0x0, s20;
	[sflag:s22] =	ssyncset.done $0x0  }
0xa0: {  	[sflag:s22] =	ssyncadd.s32 s3;
	_ =	sdelay $0x1  }
0xa1: {  	s23 =	simm.s32 $0x1B8B  }
0xa2: {  	_ =	swait.ge [sflag:s23], $0x1  }
0xa3: {  	[sflag:s23] =	ssyncset.done $0x0  }
0xa4: {  	s25 =	simm.s32 $0x1B8E;
	s24 =	sld [smem:$0x3FFE];
	[sflag:s23] =	ssyncadd.s32 $0xFFFFFFFF  }
0xa5: {  	s26 =	simm.s32 $execute0_lowered;
	[smem:$0x3FD2] =	sst s25  }
0xa6: {  	s4 =	sshll.u32 s26, $0x1;
	_ =	strace $0x80000049;
	[dreg:$0x1] =	wrdreg $0xFFFFFFFF  }
0xa7: {  	s28 =	simm.s32 $_size_execute0_lowered;
	s2 =	sadd.s32 s2, s4;
	[dreg:$0x0] =	wrdreg $0x0  }
0xa8: {  	s4 =	sshll.u32 s28, $0x1;
	[dreg:$0x2] =	wrdreg s2  }
0xa9: {  	[dreg:$0x3] =	wrdreg s4  }
0xaa: {  	[dreg:$0x4] =	wrdreg $0xC0  }
0xab: {  	_ =	task [dreg:s6], $0x5FFFF  }
0xac: {  	[dreg:$0x1] =	wrdreg $0xFFFFFFFF  }
0xad: {  	[dreg:$0x0] =	wrdreg $0x60  }
0xae: {  	[dreg:$0x2] =	wrdreg s24  }
0xaf: {  	[dreg:$0x3] =	wrdreg $0xB1000  }
0xb0: {  	[dreg:$0x4] =	wrdreg $0x9  }
0xb1: {  	_ =	task.clear_ibuf [dreg:s6], $0x5FFFF;
	_ =	strace $0x90000049  }
0xb2: {  	s29 =	simm.s32 $0x9;
	_ =	strace $0x8000004B  }
0xb3: {  	_ =	swait.ge [sflag:s29], $0x1  }
0xb4: {  	[sflag:s29] =	ssyncadd.s32 $0xFFFFFFFF  }
0xb5: {  	_ =	strace $0x9000004B  }
0xb6: {  	_ =	sfence  }
0xb7: {  	s30 =	sld [smem:$0x0];
	_ =	sdelay $0x2  }
0xb8: {  	s31 =	sshll.u32 s1, $0xD;
	s1 =	sshrl.u32 s1, $0x2  }
0xb9: {  	s3 =	sand.u32 $0x4000, s31;
	s1 =	sadd.s32 s1, s30  }
0xba: {  	s0 =	sor.u32 s3, s0;
	s1 =	sshll.u32 s1, $0x11  }
0xbb: {  	s0 =	sor.u32 s1, s0  }
0xbc: {  	s0 =	sadd.s32 $0x8F2B, s0  }
0xbd: {  	[sflag:s0] =	ssyncadd.remote.s32 $0x1  }
0xbe: {  	_ =	sfence.sel $0xFFFF  }
0xbf: {  	[dreg:$0x0] =	wrdreg $0xFFFFFFFF;
	(pc) =	sbr.abs _section_cstart, $3  }
0xc0: {  	[dreg:$0x1] =	wrdreg $0xFFFFFFFF  }
0xc1: {  	_ =	task.clear_ibuf [dreg:s6], $0x2FFFF;
	_ =	strace $0x9FFFFFFF  }
0xc2: {  	(tm) =	ssettm $0x7FFFFFFF  }
0xc3: {  	_ =	shalt  }
tec
execute0_lowered:
.L_overlay_start_1:
0x0: {  	(tag) =	ssettag $0x1  }
0x1: {  	s1 =	srdreg.scid  }
0x2: {  	s0 =	stileid.u32;
	s7 =	rddreg [dreg:$0x0];
	s4 =	simm.s32 $0x0  }
0x3: {  	s13 =	simm.s32 $0xA900;
	s14 =	simm.s32 $0x3;
	s15 =	simm.s32 $0x2800  }
0x4: {  	s16 =	simm.s32 $0x2900;
	s17 =	simm.s32 $0x2880;
	s19 =	simm.s32 $0x1  }
0x5: {  	s20 =	simm.s32 $0x2;
	s21 =	simm.s32 $0x80;
	s23 =	simm.s32 $0x0  }
0x6: {  	s1 =	sand.u32 $0x1, s1;
	s2 =	sshll.u32 s0, $0x1;
	s9 =	smul.u32 $0x14000, s0  }
0x7: {  	[smem:$0x7FF] =	sst s4;
	s5 =	sadd.s32 $0x16200, s7;
	s29 =	smul.u32 $0x50000, s0  }
0x8: {  	s6 =	sadd.s32 $0xC200, s7;
	s3 =	sor.u32 s1, s2;
	s8 =	smul.u32 $0x140000, s1  }
0x9: {  	s2 =	rddreg [dreg:$0x1];
	s1 =	ssub.s32 $0x2, s1;
	s3 =	smul.u32 $0x2800, s3  }
0xa: {  	_ =	strace $0x8000004A;
	s30 =	sshrl.u32 s1, $0x1;
	s8 =	sadd.s32 s9, s8  }
0xb: {  	s31 =	sshrl.u32 s29, $0x2;
	s10 =	sshrl.u32 s3, $0x3;
	s8 =	sshrl.u32 s8, $0x3  }
0xc: {  	s1 =	ssub.s32 s1, s30;
	s11 =	sadd.s32 s10, s7;
	s12 =	sadd.s32 s8, s7  }
0xd: {  	s7 =	sadd.s32 s31, s2;
	s9 =	sadd.s32 s6, s10;
	s8 =	sadd.s32 $0x1800, s11  }
0xe: {  	v0 =	vimm.f32 $0.0e+00;
	s10 =	sadd.s32 $0x3E200, s12;
	s11 =	smax.u32 s1, $0x1;
	s12 =	sadd.s32 $0x10, s9  }
.LBB2_1:
0xf: {  	s1 =	simm.s32 $0x0;
	s24 =	simm.s32 $0x0  }
.LBB2_2:
0x10: {  	p0 =	sne.s32 s24, $0x1FC0  }
.Ltmp0:
0x11: {  	_ = 	snop;
	(pc) =	sbr.rel @p0 .LBB2_2-.Ltmp0, $4  }
0x12: {  	s25 =	sand.u32 $0x1E00, s24  }
0x13: {  	s26 =	sand.u32 $0x70, s1;
	s25 =	sshrl.u32 s25, $0x2  }
0x14: {  	s25 =	sor.u32 s26, s25  }
0x15: {  	s1 =	sadd.s32 $0x10, s1;
	s24 =	sadd.s32 $0x40, s24;
	[tilespmem:s25+$0xA900] =	vst v0  }
0x16: {  	s1 =	sadd.s32 $0x0, s7  }
0x17: {  	[spmem:s1] =	stream.linear.scatter [tilespmem:s13], [sflag:$0x3], $0x800, $0x38;
	[tilespmem:$0x1F100] =	vst v63  }
0x18: {  	s24 =	simm.s32 $0x2000;
	_ =	swait.ge [sflag:s14], $0x800  }
.LBB2_4:
0x19: {  	s1 =	sshra.s32 s24, $0x2;
	[sflag:s14] =	ssyncset.done $0x0;
	p0 =	sne.s32 s24, $0x4E000  }
.Ltmp1:
0x1a: {  	s1 =	sadd.s32 s1, s7;
	[sflag:s14] =	ssyncadd.s32 $0xFFFFF800;
	(pc) =	sbr.rel @p0 .LBB2_4-.Ltmp1, $3  }
0x1b: {  	[spmem:s1] =	stream.linear.scatter [tilespmem:s13], [sflag:$0x3], $0x800, $0x38;
	[tilespmem:$0x1F100] =	vst v63  }
0x1c: {  	s24 =	sadd.s32 $0x2000, s24;
	_ =	sdelay $0x1  }
0x1d: {  	_ =	swait.ge [sflag:s14], $0x800  }
0x1e: {  	[sflag:s14] =	ssyncset.done $0x0  }
0x1f: {  	[sflag:s14] =	ssyncadd.s32 $0xFFFFF800  }
0x20: {  	[tilespmem:s4], [sflag:$0x3] =	stream.linear.gather [hbm4b:s8+s4], $0x2780, $0x38;
	[tilespmem:$0x1F100] =	vst v63  }
0x21: {  	_ =	swait.ge [sflag:s14], $0x2780  }
0x22: {  	[sflag:s14] =	ssyncset.done $0x0  }
0x23: {  	[sflag:s14] =	ssyncadd.s32 $0xFFFFD880  }
0x24: {  	[bflag:$0x0] =	sbarrier.arrive $0xFFFF  }
0x25: {  	[tilespmem:s15], [sflag:$0x3] =	stream.linear.gather [hbm4b:s9+s4], $0x80, $0x38;
	[tilespmem:$0x1F100] =	vst v63  }
0x26: {  	_ =	swait.ge [sflag:s14], $0x80  }
0x27: {  	[sflag:s14] =	ssyncset.done $0x0  }
0x28: {  	s24 =	simm.s32 $0x80;
	[sflag:s14] =	ssyncadd.s32 $0xFFFFFF80  }
0x29: {  	[tilespmem:s16], [sflag:$0x1] =	stream.indirect.gather [hbm4b:s5+s24], $0x80, s15, s24, $0xb8;
	[tilespmem:$0x1F100] =	vst v63  }
0x2a: {  	_ = 	snop  }
0x2b: {  	[tilespmem:s17], [sflag:$0x3] =	stream.linear.gather [hbm4b:s12+s4], $0x80, $0x38;
	[tilespmem:$0x1F100] =	vst v63  }
0x2c: {  	_ =	swait.ge [sflag:s14], $0x80  }
0x2d: {  	s0 =	simm.s32 $0x6900;
	s1 =	simm.s32 $0x100;
	[sflag:s14] =	ssyncset.done $0x0  }
0x2e: {  	s26 =	simm.s32 $0x2;
	s25 =	sand.u32 $0x7C00, s1;
	[sflag:s14] =	ssyncadd.s32 $0xFFFFFF80  }
0x2f: {  	[tilespmem:s0], [sflag:$0x1] =	stream.indirect.gather [hbm4b:s5+s24], $0x80, s17, s24, $0xb8;
	[tilespmem:$0x1F100] =	vst v63  }
0x30: {  	s1 =	sand.u32 $0x380, s1;
	s25 =	sadd.s32 s3, s25;
	_ =	swait.ge [sflag:s19], $0x4000  }
0x31: {  	s26 =	sand.u32 $0x1, s26;
	s1 =	sor.u32 s1, s25;
	[sflag:s19] =	ssyncset.done $0x0  }
0x32: {  	s1 =	sshrl.u32 s1, $0x3;
	s0 =	sshll.u32 s26, $0x7;
	[sflag:s19] =	ssyncadd.s32 $0xFFFFC000  }
0x33: {  	[spmem:s2] =	stream.indirect.scatter.add.f32 [tilespmem:s16], [sflag:$0x2], $0x80, s4, s24, $0xb8;
	[tilespmem:$0x1F100] =	vst v63  }
0x34: {  	s1 =	sadd.s32 s6, s1;
	s30 =	sor.u32 $0x2800, s0  }
0x35: {  	[tilespmem:s30], [sflag:$0x3] =	stream.linear.gather [hbm4b:s1+s4], $0x80, $0x38;
	[tilespmem:$0x1F100] =	vst v63  }
0x36: {  	_ =	swait.ge [sflag:s14], $0x80  }
0x37: {  	[sflag:s14] =	ssyncset.done $0x0  }
0x38: {  	s18 =	simm.s32 $0x4000;
	[sflag:s14] =	ssyncadd.s32 $0xFFFFFF80  }
0x39: {  	s28 =	simm.s32 $0xC000;
	s29 =	simm.s32 $0x180;
	_ =	swait.ge [sflag:s20], $0x4000  }
0x3a: {  	s22 =	sand.u32 $0x7C00, s29;
	s26 =	sshll.u32 s26, $0xE;
	[sflag:s20] =	ssyncset.done $0x0  }
0x3b: {  	s31 =	sand.u32 $0x4000, s18;
	s26 =	sor.u32 $0x2900, s26;
	[sflag:s20] =	ssyncadd.s32 $0xFFFFC000  }
0x3c: {  	[tilespmem:s26], [sflag:$0x1] =	stream.indirect.gather [hbm4b:s5+s21], $0x80, s30, s21, $0xb8;
	[tilespmem:$0x1F100] =	vst v63  }
0x3d: {  	s25 =	simm.s32 $0x8000;
	s0 =	sadd.s32 s3, s22;
	s26 =	sand.u32 $0x380, s29  }
0x3e: {  	s30 =	simm.s32 $0x3;
	s1 =	sor.u32 s26, s0;
	s26 =	simm.s32 $0x100  }
.LBB2_6:
0x3f: {  	s0 =	sand.u32 $0x1, s30;
	s1 =	sshrl.u32 s1, $0x3  }
0x40: {  	_ =	swait.ge [sflag:s19], $0x4000;
	s18 =	smov.u32 s25;
	s25 =	smov.u32 s28  }
0x41: {  	s22 =	sshll.u32 s0, $0x7;
	s0 =	sshll.u32 s0, $0xE;
	[sflag:s19] =	ssyncset.done $0x0  }
0x42: {  	p0 =	sne.s32 s28, $0x134000;
	s31 =	sor.u32 $0x2900, s31;
	[sflag:s19] =	ssyncadd.s32 $0xFFFFC000  }
0x43: {  	[spmem:s2] =	stream.indirect.scatter.add.f32 [tilespmem:s31], [sflag:$0x2], $0x80, s24, s21, $0xb8;
	[tilespmem:$0x1F100] =	vst v63  }
0x44: {  	s28 =	sadd.s32 $0x4000, s28;
	s1 =	sadd.s32 s6, s1;
	s22 =	sor.u32 $0x2800, s22  }
0x45: {  	[tilespmem:s22], [sflag:$0x3] =	stream.linear.gather [hbm4b:s1+s4], $0x80, $0x38;
	[tilespmem:$0x1F100] =	vst v63  }
0x46: {  	s24 =	smov.u32 s26;
	_ =	swait.ge [sflag:s14], $0x80  }
0x47: {  	s30 =	sadd.s32 $0x1, s30;
	s31 =	sand.u32 $0x4000, s18;
	[sflag:s14] =	ssyncset.done $0x0  }
.Ltmp2:
0x48: {  	s29 =	sadd.s32 $0x80, s29;
	[sflag:s14] =	ssyncadd.s32 $0xFFFFFF80;
	(pc) =	sbr.rel @p0 .LBB2_6-.Ltmp2, $4  }
0x49: {  	s18 =	sand.u32 $0x380, s29;
	s1 =	sand.u32 $0x7C00, s29;
	_ =	swait.ge [sflag:s20], $0x4000  }
0x4a: {  	s0 =	sor.u32 $0x2900, s0;
	s1 =	sadd.s32 s3, s1;
	[sflag:s20] =	ssyncset.done $0x0  }
0x4b: {  	s26 =	sadd.s32 $0x80, s26;
	s1 =	sor.u32 s18, s1;
	[sflag:s20] =	ssyncadd.s32 $0xFFFFC000  }
0x4c: {  	[tilespmem:s0], [sflag:$0x1] =	stream.indirect.gather [hbm4b:s5+s21], $0x80, s22, s21, $0xb8;
	[tilespmem:$0x1F100] =	vst v63  }
0x4d: {  	_ =	swait.ge [sflag:s19], $0x4000  }
0x4e: {  	s0 =	sand.u32 $0x1, s30;
	s1 =	sshrl.u32 s1, $0x3;
	[sflag:s19] =	ssyncset.done $0x0  }
0x4f: {  	s22 =	sor.u32 $0x2900, s31;
	s18 =	sshll.u32 s0, $0x7;
	[sflag:s19] =	ssyncadd.s32 $0xFFFFC000  }
0x50: {  	[spmem:s2] =	stream.indirect.scatter.add.f32 [tilespmem:s22], [sflag:$0x2], $0x80, s24, s21, $0xb8;
	[tilespmem:$0x1F100] =	vst v63  }
0x51: {  	s1 =	sadd.s32 s6, s1;
	s18 =	sor.u32 $0x2800, s18  }
0x52: {  	[tilespmem:s18], [sflag:$0x3] =	stream.linear.gather [hbm4b:s1+s4], $0x80, $0x38;
	[tilespmem:$0x1F100] =	vst v63  }
0x53: {  	_ =	swait.ge [sflag:s14], $0x80  }
0x54: {  	[sflag:s14] =	ssyncset.done $0x0  }
0x55: {  	[sflag:s14] =	ssyncadd.s32 $0xFFFFFF80  }
0x56: {  	_ =	swait.ge [sflag:s20], $0x4000  }
0x57: {  	s0 =	sshll.u32 s0, $0xE;
	[sflag:s20] =	ssyncset.done $0x0  }
0x58: {  	s0 =	sor.u32 $0x2900, s0;
	[sflag:s20] =	ssyncadd.s32 $0xFFFFC000  }
0x59: {  	[tilespmem:s0], [sflag:$0x1] =	stream.indirect.gather [hbm4b:s5+s21], $0x80, s18, s21, $0xb8;
	[tilespmem:$0x1F100] =	vst v63  }
0x5a: {  	_ =	swait.ge [sflag:s19], $0x4000  }
0x5b: {  	s28 =	sand.u32 $0x4000, s25;
	[sflag:s19] =	ssyncset.done $0x0  }
0x5c: {  	s0 =	sor.u32 $0x2900, s28;
	[sflag:s19] =	ssyncadd.s32 $0xFFFFC000  }
0x5d: {  	[spmem:s2] =	stream.indirect.scatter.add.f32 [tilespmem:s0], [sflag:$0x2], $0x80, s26, s21, $0xb8;
	[tilespmem:$0x1F100] =	vst v63  }
0x5e: {  	_ =	swait.ge [sflag:s19], $0x4000  }
0x5f: {  	[sflag:s19] =	ssyncset.done $0x0  }
0x60: {  	[sflag:s19] =	ssyncadd.s32 $0xFFFFC000  }
0x61: {  	_ =	swait.ge [sflag:s20], $0x4000  }
0x62: {  	[sflag:s20] =	ssyncset.done $0x0  }
0x63: {  	s29 =	simm.s32 $0x2700;
	[sflag:s20] =	ssyncadd.s32 $0xFFFFC000  }
0x64: {  	[spmem:s2] =	stream.indirect.scatter.add.f32 [tilespmem:s16], [sflag:$0x3], $0x80, s29, s21, $0xb8;
	[tilespmem:$0x1F100] =	vst v63  }
0x65: {  	s30 =	stileid.u32;
	_ =	swait.ge [sflag:s14], $0x4000  }
0x66: {  	s31 =	sshrl.u32 s7, $0x3;
	s23 =	sadd.s32 $0x1, s23;
	[sflag:s14] =	ssyncset.done $0x0  }
0x67: {  	p0 =	sne.s32 s23, s11;
	s0 =	sshll.u32 s30, $0x6;
	[sflag:s14] =	ssyncadd.s32 $0xFFFFC000  }
.Ltmp3:
0x68: {  	s0 =	sor.u32 $0x1C03, s0;
	[bflag:$0x0] =	sbarrier.arrive $0xFFFF;
	(pc) =	sbr.rel @p0 .LBB2_1-.Ltmp3, $4  }
0x69: {  	[hbm:s10], [sflag:s0] =	dma.local [spmem:s31], $0x2800  }
0x6a: {  	_ =	swait.ge [sflag:s14], $0x2800  }
0x6b: {  	[sflag:s14] =	ssyncset.done $0x0  }
0x6c: {  	[sflag:s14] =	ssyncadd.s32 $0xFFFFD800  }
0x6d: {  	_ =	sfence.sel $0x180000  }
0x6e: {  	[bflag:$0x0] =	sbarrier.arrive $0xFFFF  }
0x6f: {  	_ =	strace $0x9000004A  }
0x70: {  	s0 =	stileid.u32;
	[bflag:$0x2] =	sbarrier.arrive $0xFFFF  }
0x71: {  	p0 =	sne.s32 s0, $0x0;
	s0 =	rddreg [dreg:$0x2]  }
0x72: {  	s0 =	sadd.s32 @!p0 $0x100000, s0  }
0x73: {  	[sflag:s0] =	ssyncadd.tile.s32 @!p0 $0x1;
	_ =	shalt  }
.Lfunc_end2:
_tile_overlayer_lowered:
.L_overlay_start_2:
0x74: {  	(tag) =	ssettag $0x2  }
0x75: {  	s0 =	rddreg [dreg:$0x0];
	s2 =	stileid.u32  }
0x76: {  	s1 =	rddreg [dreg:$0x1];
	p0 =	sne.s32 s2, $0x0  }
0x77: {  	s3 =	rddreg [dreg:$0x2];
	[bflag:$0x3] =	sbarrier.arrive $0xFFFF;
	s2 =	simm.s32 @!p0 $0x1C03  }
0x78: {  	[timem:s3], [sflag:s2] =	dma.local @!p0 [hbm:s0], s1  }
0x79: {  	s0 =	simm.s32 @!p0 $0x3  }
0x7a: {  	_ =	swait.ge @!p0 [sflag:s0], s1  }
0x7b: {  	s1 =	ssub.s32 @!p0 $0x0, s1;
	[sflag:s0] =	ssyncset.done @!p0 $0x0  }
0x7c: {  	[sflag:s0] =	ssyncadd.s32 @!p0 s1  }
0x7d: {  	[bflag:$0x3] =	sbarrier.arrive $0xFFFF  }
0x7e: {  	_ =	shalt  }

// kernel: kernel.14.cloned.1.call-start
scs
__scs_entry_jumppad:
0x0: {  	(pc) =	sbr.rel $0x88, $3  }
0x1: {  	(tag) =	ssettag $0x0;
	lr =	simm.s32 $0x1  }
0x2: {  	[smem:$0x3F97] =	sst lr;
	_ =	strace $0xD0000000  }
0x3: {  	_ = 	snop  }
0x4: {  	_ = 	snop  }
0x5: {  	_ = 	snop  }
0x6: {  	_ = 	snop  }
0x7: {  	_ = 	snop  }
__scs_overlays_trampoline_lowered:
0x8: {  	[smem:$0x3FA6] =	sst s0  }
0x9: {  	[smem:$0x3FA7] =	sst s1  }
0xa: {  	[smem:$0x3FA8] =	sst s2  }
0xb: {  	[smem:$0x3FA9] =	sst s3  }
0xc: {  	[smem:$0x3FAA] =	sst s4  }
0xd: {  	[smem:$0x3FAB] =	sst s5  }
0xe: {  	[smem:$0x3FAC] =	sst s6  }
0xf: {  	[smem:$0x3FAD] =	sst s7  }
0x10: {  	[smem:$0x3FAE] =	sst s8  }
0x11: {  	[smem:$0x3FAF] =	sst s9;
	s0 =	simm.s32 @!p0 $0x0  }
0x12: {  	s1 =	sld [smem:$0x3F95];
	s0 =	simm.s32 @p0 $0x1  }
0x13: {  	[smem:$0x3FB0] =	sst s0;
	s0 =	simm.s32 @!p1 $0x0  }
0x14: {  	s2 =	sld [smem:$0x3F94];
	s0 =	simm.s32 @p1 $0x1  }
0x15: {  	[smem:$0x3FB1] =	sst s0;
	s0 =	simm.s32 @!p2 $0x0  }
0x16: {  	s3 =	sld [smem:$0x3FDB];
	s0 =	simm.s32 @p2 $0x1  }
0x17: {  	s4 =	simm.s32 $0x1BF5;
	[smem:$0x3FB3] =	sst s0  }
0x18: {  	s0 =	sld [smem:$0x3F96];
	_ =	swait.ge [sflag:s4], $0x0  }
0x19: {  	s7 =	sld [smem:$0x3F97]  }
0x1a: {  	s8 =	sadd.s32 $0xFFFFE003, lr  }
0x1b: {  	s9 =	sadd.s32 $0xFFFFFEF7, lr;
	s5 =	simm.s32 $0xFFFFFFFF;
	p2 =	slt.u32 s8, $0xFFFFF086  }
0x1c: {  	p1 =	slt.u32 s9, $0xF7A;
	s5 =	simm.s32 @!p2 $0x0  }
0x1d: {  	s5 =	simm.s32 @p1 $0x1;
	p0 =	seq.s32 s7, s2  }
0x1e: {  	s7 =	smul.u32 @!p0 $0xF7A, s2;
	p2 =	seq.s32 @!p0 s5, $0x0  }
0x1f: {  	s9 =	smul.u32 $0xF7A, s1;
	s8 =	simm.s32 @!p0 $0x1BF5;
	p2 =	por !p2, p0  }
0x20: {  	[sflag:s8] =	ssyncset.s32 @!p0 $0xFFFFF086;
	s6 =	sadd.s32 @!p0 s3, s7;
	s7 =	simm.s32 @!p0 $0x108  }
0x21: {  	s3 =	sadd.s32 s3, s9;
	s6 =	sadd.s32 @!p0 $0x88, s6;
	s7 =	simm.s32 @p2 $0x1082  }
0x22: {  	[simem:s7], [sflag:s8] =	dma.local @!p0 [hbm:s6], $0xF7A  }
0x23: {  	s9 =	sor.u32 $0xD0000000, s2;
	s6 =	simm.s32 $0x108;
	_ =	swait.ge @!p0 [sflag:s8], $0x0  }
0x24: {  	s3 =	sadd.s32 $0x88, s3;
	s6 =	simm.s32 @!p1 $0x1082;
	[sflag:s4] =	ssyncset.s32 $0xFFFFF086  }
0x25: {  	[simem:s6], [sflag:s4] =	dma.local [hbm:s3], $0xF7A  }
0x26: {  	[smem:$0x3F97] =	sst s1;
	(tag) =	ssettag s2;
	_ =	strace s9  }
0x27: {  	s1 =	sld [smem:$0x3FA7]  }
0x28: {  	s2 =	sld [smem:$0x3FA8]  }
0x29: {  	s4 =	sld [smem:$0x3FAA]  }
0x2a: {  	p0 =	seq.s32 s5, $0x0;
	s5 =	sld [smem:$0x3FAB]  }
0x2b: {  	s6 =	sld [smem:$0x3FAC]  }
0x2c: {  	s7 =	sld [smem:$0x3FAD]  }
0x2d: {  	s3 =	simm.s32 $0x108;
	s8 =	sld [smem:$0x3FAE]  }
0x2e: {  	s3 =	simm.s32 @!p0 $0x1082;
	s9 =	sld [smem:$0x3FAF]  }
0x2f: {  	lr =	sadd.s32 s0, s3;
	s0 =	sld [smem:$0x3FA6]  }
0x30: {  	s3 =	sld [smem:$0x3FA9]  }
0x31: {  	[smem:$0x3FB2] =	sst s10  }
0x32: {  	s10 =	sld [smem:$0x3FB0];
	_ =	sdelay $0x3  }
0x33: {  	p0 =	seq.s32 s10, $0x1;
	s10 =	sld [smem:$0x3FB2];
	_ =	sdelay $0x3  }
0x34: {  	[smem:$0x3FB2] =	sst s10  }
0x35: {  	s10 =	sld [smem:$0x3FB1];
	_ =	sdelay $0x3  }
0x36: {  	p1 =	seq.s32 s10, $0x1;
	s10 =	sld [smem:$0x3FB2];
	_ =	sdelay $0x3  }
0x37: {  	[smem:$0x3FB2] =	sst s10  }
0x38: {  	s10 =	sld [smem:$0x3FB3]  }
0x39: {  	_ = 	snop;
	(pc) =	sbr.ind lr, $3  }
0x3a: {  	_ = 	snop  }
0x3b: {  	_ = 	snop  }
0x3c: {  	p2 =	seq.s32 s10, $0x1;
	s10 =	sld [smem:$0x3FB2]  }
0x3d: {  	_ =	shalt  }
0x3e: {  	_ =	shalt  }
0x3f: {  	_ =	shalt  }
0x40: {  	_ =	shalt  }
0x41: {  	_ =	shalt  }
0x42: {  	_ =	shalt  }
0x43: {  	_ =	shalt  }
0x44: {  	_ =	shalt  }
0x45: {  	_ =	shalt  }
0x46: {  	_ =	shalt  }
0x47: {  	_ =	shalt  }
0x48: {  	_ =	shalt  }
0x49: {  	_ =	shalt  }
0x4a: {  	_ =	shalt  }
0x4b: {  	_ =	shalt  }
0x4c: {  	_ =	shalt  }
0x4d: {  	_ =	shalt  }
0x4e: {  	_ =	shalt  }
0x4f: {  	_ =	shalt  }
0x50: {  	_ =	shalt  }
0x51: {  	_ =	shalt  }
0x52: {  	_ =	shalt  }
0x53: {  	_ =	shalt  }
0x54: {  	_ =	shalt  }
0x55: {  	_ =	shalt  }
0x56: {  	_ =	shalt  }
0x57: {  	_ =	shalt  }
0x58: {  	_ =	shalt  }
0x59: {  	_ =	shalt  }
0x5a: {  	_ =	shalt  }
0x5b: {  	_ =	shalt  }
0x5c: {  	_ =	shalt  }
0x5d: {  	_ =	shalt  }
0x5e: {  	_ =	shalt  }
0x5f: {  	_ =	shalt  }
0x60: {  	_ =	shalt  }
0x61: {  	_ =	shalt  }
0x62: {  	_ =	shalt  }
0x63: {  	_ =	shalt  }
0x64: {  	_ =	shalt  }
0x65: {  	_ =	shalt  }
0x66: {  	_ =	shalt  }
0x67: {  	_ =	shalt  }
0x68: {  	_ =	shalt  }
0x69: {  	_ =	shalt  }
0x6a: {  	_ =	shalt  }
0x6b: {  	_ =	shalt  }
0x6c: {  	_ =	shalt  }
0x6d: {  	_ =	shalt  }
0x6e: {  	_ =	shalt  }
0x6f: {  	_ =	shalt  }
0x70: {  	_ =	shalt  }
0x71: {  	_ =	shalt  }
0x72: {  	_ =	shalt  }
0x73: {  	_ =	shalt  }
0x74: {  	_ =	shalt  }
0x75: {  	_ =	shalt  }
0x76: {  	_ =	shalt  }
0x77: {  	_ =	shalt  }
0x78: {  	_ =	shalt  }
0x79: {  	_ =	shalt  }
0x7a: {  	_ =	shalt  }
0x7b: {  	_ =	shalt  }
0x7c: {  	_ =	shalt  }
0x7d: {  	_ =	shalt  }
0x7e: {  	_ =	shalt  }
0x7f: {  	_ =	shalt  }
0x80: {  	_ =	shalt  }
0x81: {  	_ =	shalt  }
0x82: {  	_ =	shalt  }
0x83: {  	_ =	shalt  }
0x84: {  	_ =	shalt  }
0x85: {  	_ =	shalt  }
0x86: {  	_ =	shalt  }
0x87: {  	_ =	shalt  }
.Lfunc_end0:
.L_simem_size_0:
called_computation.2_lowered:
.L_overlay_start_0:
0x88: {  	s2 =	sld [smem:$0x3FD9]  }
0x89: {  	s3 =	sld [smem:$0x3FFE];
	_ =	sdelay $0x1  }
0x8a: {  	s1 =	srdreg.scid  }
0x8b: {  	s0 =	sand.u32 $0x1, s1  }
0x8c: {  	s16 =	sshll.u32 s0, $0xA;
	s2 =	sadd.s32 s3, s2  }
0x8d: {  	s2 =	sadd.s32 s2, s16  }
0x8e: {  	[smem:$0x3FBE] =	sst s2  }
0x8f: {  	_ = 	snop  }
0x90: {  	(tm) =	ssettm $0x1  }
0x91: {  	s17 =	sld [smem:$0x3FFB];
	_ =	sdelay $0x3  }
0x92: {  	_ =	strace s17  }
0x93: {  	s2 =	sld [smem:$0x3FFC];
	_ =	sdelay $0x3  }
0x94: {  	_ =	strace s2  }
0x95: {  	s2 =	sld [smem:$0x3FFD];
	_ =	sdelay $0x3  }
0x96: {  	_ =	strace s2  }
0x97: {  	_ =	strace $0x8FFFFFFF  }
0x98: {  	s18 =	sld [smem:$0x3FDB];
	_ =	sdelay $0x1  }
0x99: {  	s19 =	simm.s32 $_scs_section_size  }
0x9a: {  	s4 =	simm.s32 $_size__tile_overlayer_lowered;
	s5 =	simm.s32 $_tile_overlayer_lowered  }
0x9b: {  	s22 =	simm.s32 $0x1BFF;
	s21 =	sshll.u32 s5, $0x1;
	s2 =	sadd.s32 s19, s18  }
0x9c: {  	s6 =	simm.s32 $0x0;
	s20 =	sshll.u32 s4, $0x1;
	s4 =	sadd.s32 s21, s2  }
0x9d: {  	[timem:s6], [sflag:s22] =	dma.local [hbm:s4], s20  }
0x9e: {  	_ =	swait.ge [sflag:s22], s20  }
0x9f: {  	s3 =	ssub.s32 $0x0, s20;
	[sflag:s22] =	ssyncset.done $0x0  }
0xa0: {  	[sflag:s22] =	ssyncadd.s32 s3;
	_ =	sdelay $0x1  }
0xa1: {  	s23 =	simm.s32 $0x1B8B  }
0xa2: {  	_ =	swait.ge [sflag:s23], $0x1  }
0xa3: {  	[sflag:s23] =	ssyncset.done $0x0  }
0xa4: {  	s25 =	simm.s32 $0x1B8E;
	s24 =	sld [smem:$0x3FFE];
	[sflag:s23] =	ssyncadd.s32 $0xFFFFFFFF  }
0xa5: {  	s26 =	simm.s32 $execute0_lowered;
	[smem:$0x3FD2] =	sst s25  }
0xa6: {  	s4 =	sshll.u32 s26, $0x1;
	_ =	strace $0x8000004C;
	[dreg:$0x1] =	wrdreg $0xFFFFFFFF  }
0xa7: {  	s28 =	simm.s32 $_size_execute0_lowered;
	s2 =	sadd.s32 s2, s4;
	[dreg:$0x0] =	wrdreg $0x0  }
0xa8: {  	s4 =	sshll.u32 s28, $0x1;
	[dreg:$0x2] =	wrdreg s2  }
0xa9: {  	[dreg:$0x3] =	wrdreg s4  }
0xaa: {  	[dreg:$0x4] =	wrdreg $0xC0  }
0xab: {  	_ =	task [dreg:s6], $0x5FFFF  }
0xac: {  	[dreg:$0x1] =	wrdreg $0xFFFFFFFF  }
0xad: {  	[dreg:$0x0] =	wrdreg $0x60  }
0xae: {  	[dreg:$0x2] =	wrdreg s24  }
0xaf: {  	[dreg:$0x3] =	wrdreg $0xB1000  }
0xb0: {  	[dreg:$0x4] =	wrdreg $0x9  }
0xb1: {  	_ =	task.clear_ibuf [dreg:s6], $0x5FFFF;
	_ =	strace $0x9000004C  }
0xb2: {  	s29 =	simm.s32 $0x9;
	_ =	strace $0x8000004E  }
0xb3: {  	_ =	swait.ge [sflag:s29], $0x1  }
0xb4: {  	[sflag:s29] =	ssyncadd.s32 $0xFFFFFFFF  }
0xb5: {  	_ =	strace $0x9000004E  }
0xb6: {  	_ =	sfence  }
0xb7: {  	s30 =	sld [smem:$0x0];
	_ =	sdelay $0x2  }
0xb8: {  	s31 =	sshll.u32 s1, $0xD;
	s1 =	sshrl.u32 s1, $0x2  }
0xb9: {  	s3 =	sand.u32 $0x4000, s31;
	s1 =	sadd.s32 s1, s30  }
0xba: {  	s0 =	sor.u32 s3, s0;
	s1 =	sshll.u32 s1, $0x11  }
0xbb: {  	s0 =	sor.u32 s1, s0  }
0xbc: {  	s0 =	sadd.s32 $0x8F2B, s0  }
0xbd: {  	[sflag:s0] =	ssyncadd.remote.s32 $0x1  }
0xbe: {  	_ =	sfence.sel $0xFFFF  }
0xbf: {  	[dreg:$0x0] =	wrdreg $0xFFFFFFFF;
	(pc) =	sbr.abs _section_cstart, $3  }
0xc0: {  	[dreg:$0x1] =	wrdreg $0xFFFFFFFF  }
0xc1: {  	_ =	task.clear_ibuf [dreg:s6], $0x2FFFF;
	_ =	strace $0x9FFFFFFF  }
0xc2: {  	(tm) =	ssettm $0x7FFFFFFF  }
0xc3: {  	_ =	shalt  }
tec
execute0_lowered:
.L_overlay_start_1:
0x0: {  	(tag) =	ssettag $0x1  }
0x1: {  	s1 =	srdreg.scid  }
0x2: {  	s0 =	stileid.u32;
	s7 =	rddreg [dreg:$0x0];
	s4 =	simm.s32 $0x0  }
0x3: {  	s13 =	simm.s32 $0xA900;
	s14 =	simm.s32 $0x3;
	s15 =	simm.s32 $0x2800  }
0x4: {  	s16 =	simm.s32 $0x2900;
	s17 =	simm.s32 $0x2880;
	s19 =	simm.s32 $0x1  }
0x5: {  	s20 =	simm.s32 $0x2;
	s21 =	simm.s32 $0x80;
	s23 =	simm.s32 $0x0  }
0x6: {  	s1 =	sand.u32 $0x1, s1;
	s2 =	sshll.u32 s0, $0x1;
	s9 =	smul.u32 $0x14000, s0  }
0x7: {  	[smem:$0x7FF] =	sst s4;
	s5 =	sadd.s32 $0x16200, s7;
	s29 =	smul.u32 $0x50000, s0  }
0x8: {  	s6 =	sadd.s32 $0xC200, s7;
	s3 =	sor.u32 s1, s2;
	s8 =	smul.u32 $0x140000, s1  }
0x9: {  	s2 =	rddreg [dreg:$0x1];
	s1 =	ssub.s32 $0x2, s1;
	s3 =	smul.u32 $0x2800, s3  }
0xa: {  	_ =	strace $0x8000004D;
	s30 =	sshrl.u32 s1, $0x1;
	s8 =	sadd.s32 s9, s8  }
0xb: {  	s31 =	sshrl.u32 s29, $0x2;
	s10 =	sshrl.u32 s3, $0x3;
	s8 =	sshrl.u32 s8, $0x3  }
0xc: {  	s1 =	ssub.s32 s1, s30;
	s11 =	sadd.s32 s10, s7;
	s12 =	sadd.s32 s8, s7  }
0xd: {  	s7 =	sadd.s32 s31, s2;
	s9 =	sadd.s32 s6, s10;
	s8 =	sadd.s32 $0x1800, s11  }
0xe: {  	v0 =	vimm.f32 $0.0e+00;
	s10 =	sadd.s32 $0x3E200, s12;
	s11 =	smax.u32 s1, $0x1;
	s12 =	sadd.s32 $0x10, s9  }
.LBB2_1:
0xf: {  	s1 =	simm.s32 $0x0;
	s24 =	simm.s32 $0x0  }
.LBB2_2:
0x10: {  	p0 =	sne.s32 s24, $0x1FC0  }
.Ltmp0:
0x11: {  	_ = 	snop;
	(pc) =	sbr.rel @p0 .LBB2_2-.Ltmp0, $4  }
0x12: {  	s25 =	sand.u32 $0x1E00, s24  }
0x13: {  	s26 =	sand.u32 $0x70, s1;
	s25 =	sshrl.u32 s25, $0x2  }
0x14: {  	s25 =	sor.u32 s26, s25  }
0x15: {  	s1 =	sadd.s32 $0x10, s1;
	s24 =	sadd.s32 $0x40, s24;
	[tilespmem:s25+$0xA900] =	vst v0  }
0x16: {  	s1 =	sadd.s32 $0x0, s7  }
0x17: {  	[spmem:s1] =	stream.linear.scatter [tilespmem:s13], [sflag:$0x3], $0x800, $0x38;
	[tilespmem:$0x1F100] =	vst v63  }
0x18: {  	s24 =	simm.s32 $0x2000;
	_ =	swait.ge [sflag:s14], $0x800  }
.LBB2_4:
0x19: {  	s1 =	sshra.s32 s24, $0x2;
	[sflag:s14] =	ssyncset.done $0x0;
	p0 =	sne.s32 s24, $0x4E000  }
.Ltmp1:
0x1a: {  	s1 =	sadd.s32 s1, s7;
	[sflag:s14] =	ssyncadd.s32 $0xFFFFF800;
	(pc) =	sbr.rel @p0 .LBB2_4-.Ltmp1, $3  }
0x1b: {  	[spmem:s1] =	stream.linear.scatter [tilespmem:s13], [sflag:$0x3], $0x800, $0x38;
	[tilespmem:$0x1F100] =	vst v63  }
0x1c: {  	s24 =	sadd.s32 $0x2000, s24;
	_ =	sdelay $0x1  }
0x1d: {  	_ =	swait.ge [sflag:s14], $0x800  }
0x1e: {  	[sflag:s14] =	ssyncset.done $0x0  }
0x1f: {  	[sflag:s14] =	ssyncadd.s32 $0xFFFFF800  }
0x20: {  	[tilespmem:s4], [sflag:$0x3] =	stream.linear.gather [hbm4b:s8+s4], $0x2780, $0x38;
	[tilespmem:$0x1F100] =	vst v63  }
0x21: {  	_ =	swait.ge [sflag:s14], $0x2780  }
0x22: {  	[sflag:s14] =	ssyncset.done $0x0  }
0x23: {  	[sflag:s14] =	ssyncadd.s32 $0xFFFFD880  }
0x24: {  	[bflag:$0x0] =	sbarrier.arrive $0xFFFF  }
0x25: {  	[tilespmem:s15], [sflag:$0x3] =	stream.linear.gather [hbm4b:s9+s4], $0x80, $0x38;
	[tilespmem:$0x1F100] =	vst v63  }
0x26: {  	_ =	swait.ge [sflag:s14], $0x80  }
0x27: {  	[sflag:s14] =	ssyncset.done $0x0  }
0x28: {  	s24 =	simm.s32 $0x80;
	[sflag:s14] =	ssyncadd.s32 $0xFFFFFF80  }
0x29: {  	[tilespmem:s16], [sflag:$0x1] =	stream.indirect.gather [hbm4b:s5+s24], $0x80, s15, s24, $0xb8;
	[tilespmem:$0x1F100] =	vst v63  }
0x2a: {  	_ = 	snop  }
0x2b: {  	[tilespmem:s17], [sflag:$0x3] =	stream.linear.gather [hbm4b:s12+s4], $0x80, $0x38;
	[tilespmem:$0x1F100] =	vst v63  }
0x2c: {  	_ =	swait.ge [sflag:s14], $0x80  }
0x2d: {  	s0 =	simm.s32 $0x6900;
	s1 =	simm.s32 $0x100;
	[sflag:s14] =	ssyncset.done $0x0  }
0x2e: {  	s26 =	simm.s32 $0x2;
	s25 =	sand.u32 $0x7C00, s1;
	[sflag:s14] =	ssyncadd.s32 $0xFFFFFF80  }
0x2f: {  	[tilespmem:s0], [sflag:$0x1] =	stream.indirect.gather [hbm4b:s5+s24], $0x80, s17, s24, $0xb8;
	[tilespmem:$0x1F100] =	vst v63  }
0x30: {  	s1 =	sand.u32 $0x380, s1;
	s25 =	sadd.s32 s3, s25;
	_ =	swait.ge [sflag:s19], $0x4000  }
0x31: {  	s26 =	sand.u32 $0x1, s26;
	s1 =	sor.u32 s1, s25;
	[sflag:s19] =	ssyncset.done $0x0  }
0x32: {  	s1 =	sshrl.u32 s1, $0x3;
	s0 =	sshll.u32 s26, $0x7;
	[sflag:s19] =	ssyncadd.s32 $0xFFFFC000  }
0x33: {  	[spmem:s2] =	stream.indirect.scatter.add.f32 [tilespmem:s16], [sflag:$0x2], $0x80, s4, s24, $0xb8;
	[tilespmem:$0x1F100] =	vst v63  }
0x34: {  	s1 =	sadd.s32 s6, s1;
	s30 =	sor.u32 $0x2800, s0  }
0x35: {  	[tilespmem:s30], [sflag:$0x3] =	stream.linear.gather [hbm4b:s1+s4], $0x80, $0x38;
	[tilespmem:$0x1F100] =	vst v63  }
0x36: {  	_ =	swait.ge [sflag:s14], $0x80  }
0x37: {  	[sflag:s14] =	ssyncset.done $0x0  }
0x38: {  	s18 =	simm.s32 $0x4000;
	[sflag:s14] =	ssyncadd.s32 $0xFFFFFF80  }
0x39: {  	s28 =	simm.s32 $0xC000;
	s29 =	simm.s32 $0x180;
	_ =	swait.ge [sflag:s20], $0x4000  }
0x3a: {  	s22 =	sand.u32 $0x7C00, s29;
	s26 =	sshll.u32 s26, $0xE;
	[sflag:s20] =	ssyncset.done $0x0  }
0x3b: {  	s31 =	sand.u32 $0x4000, s18;
	s26 =	sor.u32 $0x2900, s26;
	[sflag:s20] =	ssyncadd.s32 $0xFFFFC000  }
0x3c: {  	[tilespmem:s26], [sflag:$0x1] =	stream.indirect.gather [hbm4b:s5+s21], $0x80, s30, s21, $0xb8;
	[tilespmem:$0x1F100] =	vst v63  }
0x3d: {  	s25 =	simm.s32 $0x8000;
	s0 =	sadd.s32 s3, s22;
	s26 =	sand.u32 $0x380, s29  }
0x3e: {  	s30 =	simm.s32 $0x3;
	s1 =	sor.u32 s26, s0;
	s26 =	simm.s32 $0x100  }
.LBB2_6:
0x3f: {  	s0 =	sand.u32 $0x1, s30;
	s1 =	sshrl.u32 s1, $0x3  }
0x40: {  	_ =	swait.ge [sflag:s19], $0x4000;
	s18 =	smov.u32 s25;
	s25 =	smov.u32 s28  }
0x41: {  	s22 =	sshll.u32 s0, $0x7;
	s0 =	sshll.u32 s0, $0xE;
	[sflag:s19] =	ssyncset.done $0x0  }
0x42: {  	p0 =	sne.s32 s28, $0x134000;
	s31 =	sor.u32 $0x2900, s31;
	[sflag:s19] =	ssyncadd.s32 $0xFFFFC000  }
0x43: {  	[spmem:s2] =	stream.indirect.scatter.add.f32 [tilespmem:s31], [sflag:$0x2], $0x80, s24, s21, $0xb8;
	[tilespmem:$0x1F100] =	vst v63  }
0x44: {  	s28 =	sadd.s32 $0x4000, s28;
	s1 =	sadd.s32 s6, s1;
	s22 =	sor.u32 $0x2800, s22  }
0x45: {  	[tilespmem:s22], [sflag:$0x3] =	stream.linear.gather [hbm4b:s1+s4], $0x80, $0x38;
	[tilespmem:$0x1F100] =	vst v63  }
0x46: {  	s24 =	smov.u32 s26;
	_ =	swait.ge [sflag:s14], $0x80  }
0x47: {  	s30 =	sadd.s32 $0x1, s30;
	s31 =	sand.u32 $0x4000, s18;
	[sflag:s14] =	ssyncset.done $0x0  }
.Ltmp2:
0x48: {  	s29 =	sadd.s32 $0x80, s29;
	[sflag:s14] =	ssyncadd.s32 $0xFFFFFF80;
	(pc) =	sbr.rel @p0 .LBB2_6-.Ltmp2, $4  }
0x49: {  	s18 =	sand.u32 $0x380, s29;
	s1 =	sand.u32 $0x7C00, s29;
	_ =	swait.ge [sflag:s20], $0x4000  }
0x4a: {  	s0 =	sor.u32 $0x2900, s0;
	s1 =	sadd.s32 s3, s1;
	[sflag:s20] =	ssyncset.done $0x0  }
0x4b: {  	s26 =	sadd.s32 $0x80, s26;
	s1 =	sor.u32 s18, s1;
	[sflag:s20] =	ssyncadd.s32 $0xFFFFC000  }
0x4c: {  	[tilespmem:s0], [sflag:$0x1] =	stream.indirect.gather [hbm4b:s5+s21], $0x80, s22, s21, $0xb8;
	[tilespmem:$0x1F100] =	vst v63  }
0x4d: {  	_ =	swait.ge [sflag:s19], $0x4000  }
0x4e: {  	s0 =	sand.u32 $0x1, s30;
	s1 =	sshrl.u32 s1, $0x3;
	[sflag:s19] =	ssyncset.done $0x0  }
0x4f: {  	s22 =	sor.u32 $0x2900, s31;
	s18 =	sshll.u32 s0, $0x7;
	[sflag:s19] =	ssyncadd.s32 $0xFFFFC000  }
0x50: {  	[spmem:s2] =	stream.indirect.scatter.add.f32 [tilespmem:s22], [sflag:$0x2], $0x80, s24, s21, $0xb8;
	[tilespmem:$0x1F100] =	vst v63  }
0x51: {  	s1 =	sadd.s32 s6, s1;
	s18 =	sor.u32 $0x2800, s18  }
0x52: {  	[tilespmem:s18], [sflag:$0x3] =	stream.linear.gather [hbm4b:s1+s4], $0x80, $0x38;
	[tilespmem:$0x1F100] =	vst v63  }
0x53: {  	_ =	swait.ge [sflag:s14], $0x80  }
0x54: {  	[sflag:s14] =	ssyncset.done $0x0  }
0x55: {  	[sflag:s14] =	ssyncadd.s32 $0xFFFFFF80  }
0x56: {  	_ =	swait.ge [sflag:s20], $0x4000  }
0x57: {  	s0 =	sshll.u32 s0, $0xE;
	[sflag:s20] =	ssyncset.done $0x0  }
0x58: {  	s0 =	sor.u32 $0x2900, s0;
	[sflag:s20] =	ssyncadd.s32 $0xFFFFC000  }
0x59: {  	[tilespmem:s0], [sflag:$0x1] =	stream.indirect.gather [hbm4b:s5+s21], $0x80, s18, s21, $0xb8;
	[tilespmem:$0x1F100] =	vst v63  }
0x5a: {  	_ =	swait.ge [sflag:s19], $0x4000  }
0x5b: {  	s28 =	sand.u32 $0x4000, s25;
	[sflag:s19] =	ssyncset.done $0x0  }
0x5c: {  	s0 =	sor.u32 $0x2900, s28;
	[sflag:s19] =	ssyncadd.s32 $0xFFFFC000  }
0x5d: {  	[spmem:s2] =	stream.indirect.scatter.add.f32 [tilespmem:s0], [sflag:$0x2], $0x80, s26, s21, $0xb8;
	[tilespmem:$0x1F100] =	vst v63  }
0x5e: {  	_ =	swait.ge [sflag:s19], $0x4000  }
0x5f: {  	[sflag:s19] =	ssyncset.done $0x0  }
0x60: {  	[sflag:s19] =	ssyncadd.s32 $0xFFFFC000  }
0x61: {  	_ =	swait.ge [sflag:s20], $0x4000  }
0x62: {  	[sflag:s20] =	ssyncset.done $0x0  }
0x63: {  	s29 =	simm.s32 $0x2700;
	[sflag:s20] =	ssyncadd.s32 $0xFFFFC000  }
0x64: {  	[spmem:s2] =	stream.indirect.scatter.add.f32 [tilespmem:s16], [sflag:$0x3], $0x80, s29, s21, $0xb8;
	[tilespmem:$0x1F100] =	vst v63  }
0x65: {  	s30 =	stileid.u32;
	_ =	swait.ge [sflag:s14], $0x4000  }
0x66: {  	s31 =	sshrl.u32 s7, $0x3;
	s23 =	sadd.s32 $0x1, s23;
	[sflag:s14] =	ssyncset.done $0x0  }
0x67: {  	p0 =	sne.s32 s23, s11;
	s0 =	sshll.u32 s30, $0x6;
	[sflag:s14] =	ssyncadd.s32 $0xFFFFC000  }
.Ltmp3:
0x68: {  	s0 =	sor.u32 $0x1C03, s0;
	[bflag:$0x0] =	sbarrier.arrive $0xFFFF;
	(pc) =	sbr.rel @p0 .LBB2_1-.Ltmp3, $4  }
0x69: {  	[hbm:s10], [sflag:s0] =	dma.local [spmem:s31], $0x2800  }
0x6a: {  	_ =	swait.ge [sflag:s14], $0x2800  }
0x6b: {  	[sflag:s14] =	ssyncset.done $0x0  }
0x6c: {  	[sflag:s14] =	ssyncadd.s32 $0xFFFFD800  }
0x6d: {  	_ =	sfence.sel $0x180000  }
0x6e: {  	[bflag:$0x0] =	sbarrier.arrive $0xFFFF  }
0x6f: {  	_ =	strace $0x9000004D  }
0x70: {  	s0 =	stileid.u32;
	[bflag:$0x2] =	sbarrier.arrive $0xFFFF  }
0x71: {  	p0 =	sne.s32 s0, $0x0;
	s0 =	rddreg [dreg:$0x2]  }
0x72: {  	s0 =	sadd.s32 @!p0 $0x100000, s0  }
0x73: {  	[sflag:s0] =	ssyncadd.tile.s32 @!p0 $0x1;
	_ =	shalt  }
.Lfunc_end2:
_tile_overlayer_lowered:
.L_overlay_start_2:
0x74: {  	(tag) =	ssettag $0x2  }
0x75: {  	s0 =	rddreg [dreg:$0x0];
	s2 =	stileid.u32  }
0x76: {  	s1 =	rddreg [dreg:$0x1];
	p0 =	sne.s32 s2, $0x0  }
0x77: {  	s3 =	rddreg [dreg:$0x2];
	[bflag:$0x3] =	sbarrier.arrive $0xFFFF;
	s2 =	simm.s32 @!p0 $0x1C03  }
0x78: {  	[timem:s3], [sflag:s2] =	dma.local @!p0 [hbm:s0], s1  }
0x79: {  	s0 =	simm.s32 @!p0 $0x3  }
0x7a: {  	_ =	swait.ge @!p0 [sflag:s0], s1  }
0x7b: {  	s1 =	ssub.s32 @!p0 $0x0, s1;
	[sflag:s0] =	ssyncset.done @!p0 $0x0  }
0x7c: {  	[sflag:s0] =	ssyncadd.s32 @!p0 s1  }
0x7d: {  	[bflag:$0x3] =	sbarrier.arrive $0xFFFF  }
0x7e: {  	_ =	shalt  }

// kernel: kernel.8.cloned.1.call-start
scs
__scs_entry_jumppad:
0x0: {  	(pc) =	sbr.rel $0x88, $3  }
0x1: {  	(tag) =	ssettag $0x0;
	lr =	simm.s32 $0x1  }
0x2: {  	[smem:$0x3F97] =	sst lr;
	_ =	strace $0xD0000000  }
0x3: {  	_ = 	snop  }
0x4: {  	_ = 	snop  }
0x5: {  	_ = 	snop  }
0x6: {  	_ = 	snop  }
0x7: {  	_ = 	snop  }
__scs_overlays_trampoline_lowered:
0x8: {  	[smem:$0x3FA6] =	sst s0  }
0x9: {  	[smem:$0x3FA7] =	sst s1  }
0xa: {  	[smem:$0x3FA8] =	sst s2  }
0xb: {  	[smem:$0x3FA9] =	sst s3  }
0xc: {  	[smem:$0x3FAA] =	sst s4  }
0xd: {  	[smem:$0x3FAB] =	sst s5  }
0xe: {  	[smem:$0x3FAC] =	sst s6  }
0xf: {  	[smem:$0x3FAD] =	sst s7  }
0x10: {  	[smem:$0x3FAE] =	sst s8  }
0x11: {  	[smem:$0x3FAF] =	sst s9;
	s0 =	simm.s32 @!p0 $0x0  }
0x12: {  	s1 =	sld [smem:$0x3F95];
	s0 =	simm.s32 @p0 $0x1  }
0x13: {  	[smem:$0x3FB0] =	sst s0;
	s0 =	simm.s32 @!p1 $0x0  }
0x14: {  	s2 =	sld [smem:$0x3F94];
	s0 =	simm.s32 @p1 $0x1  }
0x15: {  	[smem:$0x3FB1] =	sst s0;
	s0 =	simm.s32 @!p2 $0x0  }
0x16: {  	s3 =	sld [smem:$0x3FDB];
	s0 =	simm.s32 @p2 $0x1  }
0x17: {  	s4 =	simm.s32 $0x1BF5;
	[smem:$0x3FB3] =	sst s0  }
0x18: {  	s0 =	sld [smem:$0x3F96];
	_ =	swait.ge [sflag:s4], $0x0  }
0x19: {  	s7 =	sld [smem:$0x3F97]  }
0x1a: {  	s8 =	sadd.s32 $0xFFFFE003, lr  }
0x1b: {  	s9 =	sadd.s32 $0xFFFFFEF7, lr;
	s5 =	simm.s32 $0xFFFFFFFF;
	p2 =	slt.u32 s8, $0xFFFFF086  }
0x1c: {  	p1 =	slt.u32 s9, $0xF7A;
	s5 =	simm.s32 @!p2 $0x0  }
0x1d: {  	s5 =	simm.s32 @p1 $0x1;
	p0 =	seq.s32 s7, s2  }
0x1e: {  	s7 =	smul.u32 @!p0 $0xF7A, s2;
	p2 =	seq.s32 @!p0 s5, $0x0  }
0x1f: {  	s9 =	smul.u32 $0xF7A, s1;
	s8 =	simm.s32 @!p0 $0x1BF5;
	p2 =	por !p2, p0  }
0x20: {  	[sflag:s8] =	ssyncset.s32 @!p0 $0xFFFFF086;
	s6 =	sadd.s32 @!p0 s3, s7;
	s7 =	simm.s32 @!p0 $0x108  }
0x21: {  	s3 =	sadd.s32 s3, s9;
	s6 =	sadd.s32 @!p0 $0x88, s6;
	s7 =	simm.s32 @p2 $0x1082  }
0x22: {  	[simem:s7], [sflag:s8] =	dma.local @!p0 [hbm:s6], $0xF7A  }
0x23: {  	s9 =	sor.u32 $0xD0000000, s2;
	s6 =	simm.s32 $0x108;
	_ =	swait.ge @!p0 [sflag:s8], $0x0  }
0x24: {  	s3 =	sadd.s32 $0x88, s3;
	s6 =	simm.s32 @!p1 $0x1082;
	[sflag:s4] =	ssyncset.s32 $0xFFFFF086  }
0x25: {  	[simem:s6], [sflag:s4] =	dma.local [hbm:s3], $0xF7A  }
0x26: {  	[smem:$0x3F97] =	sst s1;
	(tag) =	ssettag s2;
	_ =	strace s9  }
0x27: {  	s1 =	sld [smem:$0x3FA7]  }
0x28: {  	s2 =	sld [smem:$0x3FA8]  }
0x29: {  	s4 =	sld [smem:$0x3FAA]  }
0x2a: {  	p0 =	seq.s32 s5, $0x0;
	s5 =	sld [smem:$0x3FAB]  }
0x2b: {  	s6 =	sld [smem:$0x3FAC]  }
0x2c: {  	s7 =	sld [smem:$0x3FAD]  }
0x2d: {  	s3 =	simm.s32 $0x108;
	s8 =	sld [smem:$0x3FAE]  }
0x2e: {  	s3 =	simm.s32 @!p0 $0x1082;
	s9 =	sld [smem:$0x3FAF]  }
0x2f: {  	lr =	sadd.s32 s0, s3;
	s0 =	sld [smem:$0x3FA6]  }
0x30: {  	s3 =	sld [smem:$0x3FA9]  }
0x31: {  	[smem:$0x3FB2] =	sst s10  }
0x32: {  	s10 =	sld [smem:$0x3FB0];
	_ =	sdelay $0x3  }
0x33: {  	p0 =	seq.s32 s10, $0x1;
	s10 =	sld [smem:$0x3FB2];
	_ =	sdelay $0x3  }
0x34: {  	[smem:$0x3FB2] =	sst s10  }
0x35: {  	s10 =	sld [smem:$0x3FB1];
	_ =	sdelay $0x3  }
0x36: {  	p1 =	seq.s32 s10, $0x1;
	s10 =	sld [smem:$0x3FB2];
	_ =	sdelay $0x3  }
0x37: {  	[smem:$0x3FB2] =	sst s10  }
0x38: {  	s10 =	sld [smem:$0x3FB3]  }
0x39: {  	_ = 	snop;
	(pc) =	sbr.ind lr, $3  }
0x3a: {  	_ = 	snop  }
0x3b: {  	_ = 	snop  }
0x3c: {  	p2 =	seq.s32 s10, $0x1;
	s10 =	sld [smem:$0x3FB2]  }
0x3d: {  	_ =	shalt  }
0x3e: {  	_ =	shalt  }
0x3f: {  	_ =	shalt  }
0x40: {  	_ =	shalt  }
0x41: {  	_ =	shalt  }
0x42: {  	_ =	shalt  }
0x43: {  	_ =	shalt  }
0x44: {  	_ =	shalt  }
0x45: {  	_ =	shalt  }
0x46: {  	_ =	shalt  }
0x47: {  	_ =	shalt  }
0x48: {  	_ =	shalt  }
0x49: {  	_ =	shalt  }
0x4a: {  	_ =	shalt  }
0x4b: {  	_ =	shalt  }
0x4c: {  	_ =	shalt  }
0x4d: {  	_ =	shalt  }
0x4e: {  	_ =	shalt  }
0x4f: {  	_ =	shalt  }
0x50: {  	_ =	shalt  }
0x51: {  	_ =	shalt  }
0x52: {  	_ =	shalt  }
0x53: {  	_ =	shalt  }
0x54: {  	_ =	shalt  }
0x55: {  	_ =	shalt  }
0x56: {  	_ =	shalt  }
0x57: {  	_ =	shalt  }
0x58: {  	_ =	shalt  }
0x59: {  	_ =	shalt  }
0x5a: {  	_ =	shalt  }
0x5b: {  	_ =	shalt  }
0x5c: {  	_ =	shalt  }
0x5d: {  	_ =	shalt  }
0x5e: {  	_ =	shalt  }
0x5f: {  	_ =	shalt  }
0x60: {  	_ =	shalt  }
0x61: {  	_ =	shalt  }
0x62: {  	_ =	shalt  }
0x63: {  	_ =	shalt  }
0x64: {  	_ =	shalt  }
0x65: {  	_ =	shalt  }
0x66: {  	_ =	shalt  }
0x67: {  	_ =	shalt  }
0x68: {  	_ =	shalt  }
0x69: {  	_ =	shalt  }
0x6a: {  	_ =	shalt  }
0x6b: {  	_ =	shalt  }
0x6c: {  	_ =	shalt  }
0x6d: {  	_ =	shalt  }
0x6e: {  	_ =	shalt  }
0x6f: {  	_ =	shalt  }
0x70: {  	_ =	shalt  }
0x71: {  	_ =	shalt  }
0x72: {  	_ =	shalt  }
0x73: {  	_ =	shalt  }
0x74: {  	_ =	shalt  }
0x75: {  	_ =	shalt  }
0x76: {  	_ =	shalt  }
0x77: {  	_ =	shalt  }
0x78: {  	_ =	shalt  }
0x79: {  	_ =	shalt  }
0x7a: {  	_ =	shalt  }
0x7b: {  	_ =	shalt  }
0x7c: {  	_ =	shalt  }
0x7d: {  	_ =	shalt  }
0x7e: {  	_ =	shalt  }
0x7f: {  	_ =	shalt  }
0x80: {  	_ =	shalt  }
0x81: {  	_ =	shalt  }
0x82: {  	_ =	shalt  }
0x83: {  	_ =	shalt  }
0x84: {  	_ =	shalt  }
0x85: {  	_ =	shalt  }
0x86: {  	_ =	shalt  }
0x87: {  	_ =	shalt  }
.Lfunc_end0:
.L_simem_size_0:
called_computation_lowered:
.L_overlay_start_0:
0x88: {  	s2 =	sld [smem:$0x3FD9]  }
0x89: {  	s3 =	sld [smem:$0x3FFE];
	_ =	sdelay $0x1  }
0x8a: {  	s1 =	srdreg.scid  }
0x8b: {  	s0 =	sand.u32 $0x1, s1  }
0x8c: {  	s16 =	sshll.u32 s0, $0xA;
	s2 =	sadd.s32 s3, s2  }
0x8d: {  	s2 =	sadd.s32 s2, s16  }
0x8e: {  	[smem:$0x3FBE] =	sst s2  }
0x8f: {  	_ = 	snop  }
0x90: {  	(tm) =	ssettm $0x1  }
0x91: {  	s17 =	sld [smem:$0x3FFB];
	_ =	sdelay $0x3  }
0x92: {  	_ =	strace s17  }
0x93: {  	s2 =	sld [smem:$0x3FFC];
	_ =	sdelay $0x3  }
0x94: {  	_ =	strace s2  }
0x95: {  	s2 =	sld [smem:$0x3FFD];
	_ =	sdelay $0x3  }
0x96: {  	_ =	strace s2  }
0x97: {  	_ =	strace $0x8FFFFFFF  }
0x98: {  	s18 =	sld [smem:$0x3FDB];
	_ =	sdelay $0x1  }
0x99: {  	s19 =	simm.s32 $_scs_section_size  }
0x9a: {  	s4 =	simm.s32 $_size__tile_overlayer_lowered;
	s5 =	simm.s32 $_tile_overlayer_lowered  }
0x9b: {  	s22 =	simm.s32 $0x1BFF;
	s21 =	sshll.u32 s5, $0x1;
	s2 =	sadd.s32 s19, s18  }
0x9c: {  	s6 =	simm.s32 $0x0;
	s20 =	sshll.u32 s4, $0x1;
	s4 =	sadd.s32 s21, s2  }
0x9d: {  	[timem:s6], [sflag:s22] =	dma.local [hbm:s4], s20  }
0x9e: {  	_ =	swait.ge [sflag:s22], s20  }
0x9f: {  	s3 =	ssub.s32 $0x0, s20;
	[sflag:s22] =	ssyncset.done $0x0  }
0xa0: {  	[sflag:s22] =	ssyncadd.s32 s3;
	_ =	sdelay $0x1  }
0xa1: {  	s23 =	simm.s32 $0x1B8B  }
0xa2: {  	_ =	swait.ge [sflag:s23], $0x1  }
0xa3: {  	[sflag:s23] =	ssyncset.done $0x0  }
0xa4: {  	s25 =	simm.s32 $0x1B8E;
	s24 =	sld [smem:$0x3FFE];
	[sflag:s23] =	ssyncadd.s32 $0xFFFFFFFF  }
0xa5: {  	s26 =	simm.s32 $execute0_lowered;
	[smem:$0x3FD2] =	sst s25  }
0xa6: {  	s4 =	sshll.u32 s26, $0x1;
	_ =	strace $0x80000046;
	[dreg:$0x1] =	wrdreg $0xFFFFFFFF  }
0xa7: {  	s28 =	simm.s32 $_size_execute0_lowered;
	s2 =	sadd.s32 s2, s4;
	[dreg:$0x0] =	wrdreg $0x0  }
0xa8: {  	s4 =	sshll.u32 s28, $0x1;
	[dreg:$0x2] =	wrdreg s2  }
0xa9: {  	[dreg:$0x3] =	wrdreg s4  }
0xaa: {  	[dreg:$0x4] =	wrdreg $0xC0  }
0xab: {  	_ =	task [dreg:s6], $0x5FFFF  }
0xac: {  	[dreg:$0x1] =	wrdreg $0xFFFFFFFF  }
0xad: {  	[dreg:$0x0] =	wrdreg $0x60  }
0xae: {  	[dreg:$0x2] =	wrdreg s24  }
0xaf: {  	[dreg:$0x3] =	wrdreg $0x2B000  }
0xb0: {  	[dreg:$0x4] =	wrdreg $0x9  }
0xb1: {  	_ =	task.clear_ibuf [dreg:s6], $0x5FFFF;
	_ =	strace $0x90000046  }
0xb2: {  	s29 =	simm.s32 $0x9;
	_ =	strace $0x80000048  }
0xb3: {  	_ =	swait.ge [sflag:s29], $0x1  }
0xb4: {  	[sflag:s29] =	ssyncadd.s32 $0xFFFFFFFF  }
0xb5: {  	_ =	strace $0x90000048  }
0xb6: {  	_ =	sfence  }
0xb7: {  	s30 =	sld [smem:$0x0];
	_ =	sdelay $0x2  }
0xb8: {  	s31 =	sshll.u32 s1, $0xD;
	s1 =	sshrl.u32 s1, $0x2  }
0xb9: {  	s3 =	sand.u32 $0x4000, s31;
	s1 =	sadd.s32 s1, s30  }
0xba: {  	s0 =	sor.u32 s3, s0;
	s1 =	sshll.u32 s1, $0x11  }
0xbb: {  	s0 =	sor.u32 s1, s0  }
0xbc: {  	s0 =	sadd.s32 $0x8F2B, s0  }
0xbd: {  	[sflag:s0] =	ssyncadd.remote.s32 $0x1  }
0xbe: {  	_ =	sfence.sel $0xFFFF  }
0xbf: {  	[dreg:$0x0] =	wrdreg $0xFFFFFFFF;
	(pc) =	sbr.abs _section_cstart, $3  }
0xc0: {  	[dreg:$0x1] =	wrdreg $0xFFFFFFFF  }
0xc1: {  	_ =	task.clear_ibuf [dreg:s6], $0x2FFFF;
	_ =	strace $0x9FFFFFFF  }
0xc2: {  	(tm) =	ssettm $0x7FFFFFFF  }
0xc3: {  	_ =	shalt  }
tec
execute0_lowered:
.L_overlay_start_1:
0x0: {  	(tag) =	ssettag $0x1  }
0x1: {  	s4 =	rddreg [dreg:$0x0]  }
0x2: {  	s2 =	rddreg [dreg:$0x1]  }
0x3: {  	s3 =	srdreg.scid;
	s1 =	stileid.u32  }
0x4: {  	s0 =	rddreg [dreg:$0x2];
	s10 =	simm.s32 $0x80;
	s11 =	simm.s32 $0x2800  }
0x5: {  	s14 =	simm.s32 $0x20;
	s15 =	simm.s32 $0x10;
	s16 =	simm.s32 $0x0  }
0x6: {  	s5 =	sand.u32 $0x1, s3;
	s6 =	sshll.u32 s1, $0x1;
	s7 =	smul.u32 $0x500, s1  }
0x7: {  	s3 =	simm.s32 $0x0;
	s30 =	smul.u32 $0xA00, s1;
	s12 =	sshll.u32 s1, $0x6  }
0x8: {  	s6 =	sor.u32 s5, s6;
	[smem:$0x7FF] =	sst s3;
	s8 =	sshll.u32 s5, $0x7  }
0x9: {  	s5 =	ssub.s32 $0x2, s5;
	s12 =	sor.u32 $0x1C01, s12;
	s6 =	smul.u32 $0x500, s6  }
0xa: {  	_ =	strace $0x80000047;
	s7 =	sor.u32 s8, s7;
	s31 =	sshrl.u32 s5, $0x1  }
0xb: {  	s8 =	sshrl.u32 s30, $0x2;
	s7 =	sshrl.u32 s7, $0x3;
	s9 =	ssub.s32 s5, s31  }
0xc: {  	s6 =	sadd.s32 s6, s4;
	s7 =	sadd.s32 s7, s4;
	s4 =	sadd.s32 s8, s2  }
0xd: {  	s8 =	simm.s32 $0x2880;
	s5 =	sadd.s32 $0x1800, s6;
	s6 =	sadd.s32 $0xB800, s7  }
0xe: {  	v0 =	vimm.f32 $1.000000000e+00;
	v1 =	vimm.f32 $0.0e+00;
	s7 =	smax.u32 s9, $0x1;
	s9 =	simm.s32 $0x1;
	s13 =	sshrl.u32 s4, $0x3  }
.LBB2_1:
0xf: {  	[tilespmem:$0x2800] =	vst v0  }
0x10: {  	[tilespmem:$0x2810] =	vst v0  }
0x11: {  	[tilespmem:$0x2820] =	vst v0  }
0x12: {  	[tilespmem:$0x2830] =	vst v0  }
0x13: {  	[tilespmem:$0x2840] =	vst v0  }
0x14: {  	[tilespmem:$0x2850] =	vst v0  }
0x15: {  	[tilespmem:$0x2860] =	vst v0  }
0x16: {  	[tilespmem:$0x2870] =	vst v0  }
0x17: {  	[tilespmem:$0x2880] =	vst v1  }
0x18: {  	[tilespmem:$0x2890] =	vst v1  }
0x19: {  	[tilespmem:$0x28A0] =	vst v1  }
0x1a: {  	[tilespmem:$0x28B0] =	vst v1  }
0x1b: {  	[tilespmem:$0x28C0] =	vst v1  }
0x1c: {  	[tilespmem:$0x28D0] =	vst v1  }
0x1d: {  	[tilespmem:$0x28E0] =	vst v1  }
0x1e: {  	[tilespmem:$0x28F0] =	vst v1  }
0x1f: {  	[tilespmem:$0x2900] =	vst v1  }
0x20: {  	[tilespmem:$0x2910] =	vst v1  }
0x21: {  	[tilespmem:$0x2920] =	vst v1  }
0x22: {  	[tilespmem:$0x2930] =	vst v1  }
0x23: {  	[tilespmem:$0x2940] =	vst v1  }
0x24: {  	[tilespmem:$0x2950] =	vst v1  }
0x25: {  	[tilespmem:$0x2960] =	vst v1  }
0x26: {  	[tilespmem:$0x2970] =	vst v1  }
0x27: {  	[tilespmem:$0x2980] =	vst v1  }
0x28: {  	[tilespmem:$0x2990] =	vst v1  }
0x29: {  	[tilespmem:$0x29A0] =	vst v1  }
0x2a: {  	[tilespmem:$0x29B0] =	vst v1  }
0x2b: {  	[tilespmem:$0x29C0] =	vst v1  }
0x2c: {  	[tilespmem:$0x29D0] =	vst v1  }
0x2d: {  	[tilespmem:$0x29E0] =	vst v1  }
0x2e: {  	[tilespmem:$0x29F0] =	vst v1  }
0x2f: {  	[tilespmem:$0x2A00] =	vst v1  }
0x30: {  	[tilespmem:$0x2A10] =	vst v1  }
0x31: {  	[tilespmem:$0x2A20] =	vst v1  }
0x32: {  	[tilespmem:$0x2A30] =	vst v1  }
0x33: {  	[tilespmem:$0x2A40] =	vst v1  }
0x34: {  	[tilespmem:$0x2A50] =	vst v1  }
0x35: {  	[tilespmem:$0x2A60] =	vst v1  }
0x36: {  	[tilespmem:$0x2A70] =	vst v1  }
0x37: {  	[tilespmem:$0x2A80] =	vst v1  }
0x38: {  	[tilespmem:$0x2A90] =	vst v1  }
0x39: {  	[tilespmem:$0x2AA0] =	vst v1  }
0x3a: {  	[tilespmem:$0x2AB0] =	vst v1  }
0x3b: {  	[tilespmem:$0x2AC0] =	vst v1  }
0x3c: {  	[tilespmem:$0x2AD0] =	vst v1  }
0x3d: {  	[tilespmem:$0x2AE0] =	vst v1  }
0x3e: {  	[tilespmem:$0x2AF0] =	vst v1  }
0x3f: {  	[spmem:s4] =	stream.linear.scatter [tilespmem:s8], [sflag:$0x1], $0x280, $0x38;
	[tilespmem:$0x2D80] =	vst v63  }
0x40: {  	_ =	swait.ge [sflag:s9], $0x280  }
0x41: {  	[sflag:s9] =	ssyncset.done $0x0  }
0x42: {  	[sflag:s9] =	ssyncadd.s32 $0xFFFFFD80  }
0x43: {  	[tilespmem:s3], [sflag:$0x1] =	stream.linear.gather [hbm4b:s5+s3], $0x2780, $0x38;
	[tilespmem:$0x2D80] =	vst v63  }
0x44: {  	_ =	swait.ge [sflag:s9], $0x2780  }
0x45: {  	[sflag:s9] =	ssyncset.done $0x0  }
0x46: {  	[sflag:s9] =	ssyncadd.s32 $0xFFFFD880  }
0x47: {  	s17 =	simm.s32 $0x0;
	[bflag:$0x0] =	sbarrier.arrive $0xFFFF  }
0x48: {  	[spmem:s2] =	stream.indirect.scatter.add.f32 [tilespmem:s11], [sflag:$0x1], $0x1, s17, s10, $0xb8;
	[tilespmem:$0x2D80] =	vst v63  }
0x49: {  	_ =	swait.ge [sflag:s9], $0x80  }
0x4a: {  	s17 =	simm.s32 $0x200;
	[sflag:s9] =	ssyncset.done $0x0  }
.LBB2_2:
0x4b: {  	s18 =	sshra.s32 s17, $0x2;
	[sflag:s9] =	ssyncadd.s32 $0xFFFFFF80;
	p0 =	sne.s32 s17, $0x9C00  }
0x4c: {  	[spmem:s2] =	stream.indirect.scatter.add.f32 [tilespmem:s11], [sflag:$0x1], $0x1, s18, s10, $0xb8;
	[tilespmem:$0x2D80] =	vst v63  }
.Ltmp0:
0x4d: {  	_ = 	snop;
	(pc) =	sbr.rel @p0 .LBB2_2-.Ltmp0, $4  }
0x4e: {  	_ = 	snop  }
0x4f: {  	s17 =	sadd.s32 $0x200, s17  }
0x50: {  	_ =	swait.ge [sflag:s9], $0x80  }
0x51: {  	[sflag:s9] =	ssyncset.done $0x0  }
0x52: {  	s16 =	sadd.s32 $0x1, s16  }
0x53: {  	[sflag:s9] =	ssyncadd.s32 $0xFFFFFF80;
	p0 =	sne.s32 s16, s7  }
.Ltmp1:
0x54: {  	[bflag:$0x0] =	sbarrier.arrive $0xFFFF;
	(pc) =	sbr.rel @p0 .LBB2_1-.Ltmp1, $4  }
0x55: {  	[hbm:s6@s14], [sflag:s12] =	dma.strided [spmem:s13@s15], $0x50, s9, $0x10   }
0x56: {  	_ =	swait.ge [sflag:s9], $0x50  }
0x57: {  	[sflag:s9] =	ssyncset.done $0x0  }
0x58: {  	[sflag:s9] =	ssyncadd.s32 $0xFFFFFFB0  }
0x59: {  	_ =	sfence.sel $0x180000  }
0x5a: {  	[bflag:$0x0] =	sbarrier.arrive $0xFFFF  }
0x5b: {  	p0 =	sne.s32 s1, $0x0;
	_ =	strace $0x90000047  }
0x5c: {  	s0 =	sadd.s32 @!p0 $0x100000, s0;
	[bflag:$0x2] =	sbarrier.arrive $0xFFFF  }
0x5d: {  	[sflag:s0] =	ssyncadd.tile.s32 @!p0 $0x1;
	_ =	shalt  }
.Lfunc_end2:
_tile_overlayer_lowered:
.L_overlay_start_2:
0x5e: {  	(tag) =	ssettag $0x2  }
0x5f: {  	s0 =	rddreg [dreg:$0x0];
	s2 =	stileid.u32  }
0x60: {  	s1 =	rddreg [dreg:$0x1];
	p0 =	sne.s32 s2, $0x0  }
0x61: {  	s3 =	rddreg [dreg:$0x2];
	[bflag:$0x3] =	sbarrier.arrive $0xFFFF;
	s2 =	simm.s32 @!p0 $0x1C01  }
0x62: {  	[timem:s3], [sflag:s2] =	dma.local @!p0 [hbm:s0], s1  }
0x63: {  	s0 =	simm.s32 @!p0 $0x1  }
0x64: {  	_ =	swait.ge @!p0 [sflag:s0], s1  }
0x65: {  	s1 =	ssub.s32 @!p0 $0x0, s1;
	[sflag:s0] =	ssyncset.done @!p0 $0x0  }
0x66: {  	[sflag:s0] =	ssyncadd.s32 @!p0 s1  }
0x67: {  	[bflag:$0x3] =	sbarrier.arrive $0xFFFF  }
0x68: {  	_ =	shalt  }

</sc_bundles>
